<compile_context>
chip_gen: v7x
topology: tpu7x:2x2x1
jax: 0.10.2.dev20260603
libtpu: 0.0.44.dev20260713+nightly
codegen_flags: <defaults>
</compile_context>

<pallas_src>
import functools

import numpy as np
import jax
import jax.numpy as jnp
from jax import lax
from jax.experimental import pallas as pl
from jax.experimental.pallas import tpu as pltpu
from jax.experimental.pallas import tpu_sc as plsc

NUM_CLASS = 18
NUM_HEADING_BIN = 12
NUM_SIZE_CLUSTER = 18
NPOINT = 256
NSAMPLE = 16
RADIUS = 0.3
OUT_CH = 2 + 3 + NUM_HEADING_BIN * 2 + NUM_SIZE_CLUSTER * 4 + NUM_CLASS

_F32 = jnp.float32
_I32 = jnp.int32


def _fps_body(xyzt_ref, out_ref):
    kb, n = xyzt_ref.shape
    b = kb // 3
    x48 = xyzt_ref[...]
    lane48 = lax.broadcasted_iota(_I32, (kb, n), 1)
    lane = lax.broadcasted_iota(_I32, (b, n), 1)
    lane_p = lax.broadcasted_iota(_I32, (kb, NPOINT), 1)

    def body(i, carry):
        distance, far, acc = carry
        far48 = jnp.broadcast_to(far[:, None, :], (b, 3, 1)).reshape(kb, 1)
        c48 = jnp.sum(jnp.where(lane48 == far48, x48, 0.0), axis=1,
                      keepdims=True)
        acc = jnp.where(lane_p == i, c48, acc)
        d = x48 - c48
        sq3 = (d * d).reshape(b, 3, n)
        dist = sq3[:, 0] + sq3[:, 1] + sq3[:, 2]
        distance = jnp.minimum(distance, dist)
        m = jnp.max(distance, axis=1, keepdims=True)
        sel = jnp.where(distance == m, lane, n)
        far = jnp.min(sel, axis=1, keepdims=True)
        return distance, far, acc

    _, _, acc = lax.fori_loop(
        0, NPOINT, body,
        (jnp.full((b, n), 1e10, _F32), jnp.zeros((b, 1), _I32),
         jnp.zeros((kb, NPOINT), _F32)))
    out_ref[...] = acc


def _bqpre_body(xyzt_ref, new_ref, feat_ref, w0f_ref, w0x_ref, b0_ref,
                idx_ref, tab_ref):
    n = xyzt_ref.shape[2]
    bidx = pl.program_id(0)
    x3n = xyzt_ref[0]
    n3p = new_ref[0]

    a = lax.dot_general(feat_ref[0], w0f_ref[...], (((0,), (1,)), ((), ())),
                        preferred_element_type=_F32)
    a = a + lax.dot_general(x3n * _F32(1.0 / RADIUS), w0x_ref[...],
                            (((0,), (1,)), ((), ())),
                            preferred_element_type=_F32)
    tab_ref[0] = a + b0_ref[...]

    iota3 = lax.broadcasted_iota(_I32, (3, 1), 0)
    d2 = jnp.zeros((NPOINT, n), _F32)
    for k in range(3):
        ek = (iota3 == k).astype(_F32)
        nk = lax.dot_general(n3p, ek, (((0,), (0,)), ((), ())),
                             preferred_element_type=_F32)
        diff = nk - x3n[k:k + 1, :]
        d2 = d2 + diff * diff
    lane = lax.broadcasted_iota(_I32, (NPOINT, n), 1)
    lane_s = lax.broadcasted_iota(_I32, (NPOINT, NSAMPLE), 1)
    work = jnp.where(d2 < _F32(RADIUS * RADIUS), lane, n)
    first0 = jnp.min(work, axis=1, keepdims=True)
    pad0 = jnp.where(first0 == n, 0, first0)
    acc = jnp.broadcast_to(pad0, (NPOINT, NSAMPLE))
    work = jnp.where(work == first0, n, work)

    def cond(st):
        return st[3]

    def body(st):
        s, work, acc, _ = st
        first = jnp.min(work, axis=1, keepdims=True)
        acc = jnp.where(jnp.logical_and(lane_s == s, first < n), first, acc)
        work = jnp.where(work == first, n, work)
        alive = jnp.logical_and(s + 1 < NSAMPLE, jnp.min(first) < n)
        return (s + 1, work, acc, alive)

    alive0 = jnp.logical_and(1 < NSAMPLE, jnp.min(work) < n)
    _, _, acc, _ = lax.while_loop(
        cond, body, (jnp.int32(1), work, acc, alive0))
    idx_ref[0] = acc + bidx * n


def _head_body(grp_ref, new_ref, w0x_ref,
               sw1_ref, sb1_ref, sw2_ref, sb2_ref,
               hw1_ref, hb1_ref, hw2_ref, hb2_ref,
               hw3_ref, hb3_ref, scale_ref, esel_ref, out_ref):
    def dg(x, w):
        return lax.dot_general(x, w, (((1,), (1,)), ((), ())),
                               preferred_element_type=_F32)

    g = grp_ref[0]
    nx3 = new_ref[0]
    v = lax.dot_general(nx3 * _F32(1.0 / RADIUS), w0x_ref[...],
                        (((0,), (1,)), ((), ())),
                        preferred_element_type=_F32)
    vrep = jnp.broadcast_to(
        v[:, None, :], (NPOINT, NSAMPLE, 128)).reshape(NPOINT * NSAMPLE, 128)
    h = jnp.maximum(g - vrep, 0.0)
    h = jnp.maximum(dg(h, sw1_ref[...]) + sb1_ref[...], 0.0)
    h = jnp.maximum(dg(h, sw2_ref[...]) + sb2_ref[...], 0.0)
    pooled = jnp.max(h.reshape(NPOINT, NSAMPLE, 128), axis=1)
    n1 = jnp.maximum(dg(pooled, hw1_ref[...]) + hb1_ref[...], 0.0)
    n2 = jnp.maximum(dg(n1, hw2_ref[...]) + hb2_ref[...], 0.0)
    nt = dg(n2, hw3_ref[...]) + hb3_ref[...]
    out_ref[0] = nt * scale_ref[...] + lax.dot_general(
        nx3, esel_ref[...], (((0,), (0,)), ((), ())),
        preferred_element_type=_F32)


def _sc_gather(table, idx2d):
    rows_tot = idx2d.shape[0]
    n_workers = 32
    per_w = rows_tot // n_workers
    nb = 5
    depth = 3
    dt = table.dtype
    mesh = plsc.VectorSubcoreMesh(core_axis_name="c", subcore_axis_name="s")

    @functools.partial(
        pl.kernel,
        out_type=jax.ShapeDtypeStruct((rows_tot * 128, 128), dt),
        mesh=mesh,
        scratch_types=(
            [pltpu.VMEM((per_w, 128), _I32)]
            + [pltpu.VMEM((128, 128), dt) for _ in range(nb)]
            + [pltpu.SemaphoreType.DMA for _ in range(2 * nb)]
        ),
    )
    def gk(table_hbm, idx_hbm, out_hbm, idx_v, *bs):
        bufs = bs[:nb]
        gsem = bs[nb:2 * nb]
        ssem = bs[2 * nb:]
        cid = lax.axis_index("c")
        sid = lax.axis_index("s")
        wid = sid * 2 + cid
        base = wid * per_w
        pltpu.sync_copy(idx_hbm.at[pl.ds(base, per_w)], idx_v)
        gcp = [None] * per_w
        scp = [None] * per_w

        def fire_store(j):
            scp[j] = pltpu.async_copy(
                bufs[j % nb],
                out_hbm.at[pl.ds((base + j) * 128, 128)], ssem[j % nb])

        for j in range(per_w):
            if j >= nb:
                scp[j - nb].wait()
            gcp[j] = pltpu.async_copy(
                table_hbm.at[idx_v.at[j]], bufs[j % nb], gsem[j % nb])
            k = j - (depth - 1)
            if k >= 0:
                gcp[k].wait()
                fire_store(k)
        for k in range(max(per_w - depth + 1, 0), per_w):
            gcp[k].wait()
            fire_store(k)
        for k in range(max(per_w - nb, 0), per_w):
            scp[k].wait()

    return gk(table, idx2d)


_ESEL = np.zeros((3, OUT_CH), np.float32)
_ESEL[0, 2] = 1.0
_ESEL[1, 3] = 1.0
_ESEL[2, 4] = 1.0


def kernel(xyz, features, sa_w0, sa_b0, sa_g0, sa_be0, sa_w1, sa_b1, sa_g1,
           sa_be1, sa_w2, sa_b2, sa_g2, sa_be2, w1, b1, g1, be1, w2, b2, g2,
           be2, w3, b3, mean_size_arr):
    b, n, _ = xyz.shape
    c = features.shape[1]

    w0e = sa_w0 * sa_g0[:, None]
    b0e = sa_b0 * sa_g0 + sa_be0
    w0x = w0e[:, :3]
    w0f = w0e[:, 3:]
    sw1 = sa_w1 * sa_g1[:, None]
    sb1 = sa_b1 * sa_g1 + sa_be1
    sw2 = sa_w2 * sa_g2[:, None]
    sb2 = sa_b2 * sa_g2 + sa_be2
    hw1 = w1 * g1[:, None]
    hb1 = b1 * g1 + be1
    hw2 = w2 * g2[:, None]
    hb2 = b2 * g2 + be2

    xyzt_b3 = jnp.transpose(xyz, (0, 2, 1))
    new_seq = pl.pallas_call(
        _fps_body,
        out_shape=jax.ShapeDtypeStruct((3 * b, NPOINT), _F32),
    )(xyzt_b3.reshape(3 * b, n))
    new3d = new_seq.reshape(b, 3, NPOINT)

    hb = b // 2

    def run_bqpre(h):
        sl = slice(h * hb, (h + 1) * hb)
        return pl.pallas_call(
            _bqpre_body,
            grid=(hb,),
            in_specs=[
                pl.BlockSpec((1, 3, n), lambda i: (i, 0, 0)),
                pl.BlockSpec((1, 3, NPOINT), lambda i: (i, 0, 0)),
                pl.BlockSpec((1, c, n), lambda i: (i, 0, 0)),
                pl.BlockSpec((128, c), lambda i: (0, 0)),
                pl.BlockSpec((128, 3), lambda i: (0, 0)),
                pl.BlockSpec((1, 128), lambda i: (0, 0)),
            ],
            out_specs=[
                pl.BlockSpec((1, NPOINT, NSAMPLE), lambda i: (i, 0, 0)),
                pl.BlockSpec((1, n, 128), lambda i: (i, 0, 0)),
            ],
            out_shape=[
                jax.ShapeDtypeStruct((hb, NPOINT, NSAMPLE), _I32),
                jax.ShapeDtypeStruct((hb, n, 128), _F32),
            ],
        )(xyzt_b3[sl], new3d[sl], features[sl], w0f, w0x,
          b0e.reshape(1, 128))

    grouped_halves = []
    for h in range(2):
        idx_h, table_h = run_bqpre(h)
        grouped_halves.append(
            _sc_gather(table_h.reshape(hb * n, 128), idx_h.reshape(-1, 128))
            .reshape(hb, NPOINT * NSAMPLE, 128))

    msa_flat = mean_size_arr.reshape(-1)
    scale = jnp.concatenate([
        jnp.ones((5,), _F32),
        jnp.ones((NUM_HEADING_BIN,), _F32),
        jnp.full((NUM_HEADING_BIN,), np.pi / NUM_HEADING_BIN, _F32),
        jnp.ones((NUM_SIZE_CLUSTER,), _F32),
        msa_flat.astype(_F32),
        jnp.ones((NUM_CLASS,), _F32),
    ]).reshape(1, OUT_CH)
    esel = jnp.asarray(_ESEL)

    full = lambda s: pl.BlockSpec(s, lambda i: tuple(0 for _ in s))
    row = lambda: pl.BlockSpec((1, 128), lambda i: (0, 0))

    def run_head(grouped_h, new_h):
        bh = grouped_h.shape[0]
        return pl.pallas_call(
            _head_body,
            grid=(bh,),
            in_specs=[
                pl.BlockSpec((1, NPOINT * NSAMPLE, 128), lambda i: (i, 0, 0)),
                pl.BlockSpec((1, 3, NPOINT), lambda i: (i, 0, 0)),
                full((128, 3)),
                full((128, 128)), row(),
                full((128, 128)), row(),
                full((128, 128)), row(),
                full((128, 128)), row(),
                full((OUT_CH, 128)),
                pl.BlockSpec((1, OUT_CH), lambda i: (0, 0)),
                pl.BlockSpec((1, OUT_CH), lambda i: (0, 0)),
                pl.BlockSpec((3, OUT_CH), lambda i: (0, 0)),
            ],
            out_specs=pl.BlockSpec((1, NPOINT, OUT_CH), lambda i: (i, 0, 0)),
            out_shape=jax.ShapeDtypeStruct((bh, NPOINT, OUT_CH), _F32),
        )(grouped_h, new_h, w0x,
          sw1, sb1.reshape(1, 128),
          sw2, sb2.reshape(1, 128),
          hw1, hb1.reshape(1, 128),
          hw2, hb2.reshape(1, 128),
          w3, b3.reshape(1, OUT_CH), scale, esel)

    out_halves = [
        run_head(grouped_halves[h], new3d[h * hb:(h + 1) * hb])
        for h in range(2)
    ]
    return jnp.concatenate(out_halves, axis=0)

# --- scband reference (transcript-rebuilt; emitter-appended) ---
"""Pipeline reference for scband-proposal-module-57844619543183 (READ-ONLY COPY).

The authoritative reference and input builder live on the scoring server;
editing this copy changes nothing except your own understanding.
"""

import jax, jax.numpy as jnp
import numpy as np

NUM_CLASS = 18
NUM_HEADING_BIN = 12
NUM_SIZE_CLUSTER = 18
NPOINT = 256
NSAMPLE = 16
RADIUS = 0.3
B, N, C = 16, 2048, 128
OUT_CH = 2 + 3 + NUM_HEADING_BIN * 2 + NUM_SIZE_CLUSTER * 4 + NUM_CLASS


def fps(xyz, npoint):
    b, n, _ = xyz.shape
    def body(i, state):
        centroids, distance, farthest = state
        centroids = centroids.at[:, i].set(farthest)
        centroid = xyz[jnp.arange(b), farthest][:, None, :]
        dist = jnp.sum((xyz - centroid) ** 2, axis=-1)
        distance = jnp.minimum(distance, dist)
        farthest = jnp.argmax(distance, axis=-1).astype(jnp.int32)
        return (centroids, distance, farthest)
    init = (jnp.zeros((b, npoint), jnp.int32), jnp.full((b, n), 1e10, jnp.float32), jnp.zeros((b,), jnp.int32))
    centroids, _, _ = jax.lax.fori_loop(0, npoint, body, init)
    return centroids


def ball_group(xyz, new_xyz):
    n = xyz.shape[1]
    dist2 = jnp.sum((new_xyz[:, :, None, :] - xyz[:, None, :, :]) ** 2, axis=-1)
    mask = dist2 < RADIUS ** 2
    idx = jnp.where(mask, jnp.arange(n)[None, None, :], n)
    idx = jnp.sort(idx, axis=-1)[:, :, :NSAMPLE]
    first = idx[:, :, :1]
    idx = jnp.where(idx == n, first, idx)
    idx = jnp.where(idx == n, 0, idx)
    return idx


def reference(xyz, features, sa_w0, sa_b0, sa_g0, sa_be0, sa_w1, sa_b1, sa_g1, sa_be1, sa_w2, sa_b2, sa_g2, sa_be2, w1, b1, g1, be1, w2, b2, g2, be2, w3, b3, mean_size_arr):
    b = xyz.shape[0]
    fps_idx = fps(jax.lax.stop_gradient(xyz), NPOINT)
    new_xyz = jax.vmap(lambda p, i: p[i])(xyz, fps_idx)
    gi = ball_group(jax.lax.stop_gradient(xyz), jax.lax.stop_gradient(new_xyz))
    flat = gi.reshape(b, -1)
    grouped_xyz = jax.vmap(lambda p, i: p[i])(xyz, flat).reshape(b, NPOINT, NSAMPLE, 3)
    grouped_xyz = (grouped_xyz - new_xyz[:, :, None, :]) / RADIUS
    feats_t = jnp.transpose(features, (0, 2, 1))
    grouped_feat = jax.vmap(lambda f, i: f[i])(feats_t, flat).reshape(b, NPOINT, NSAMPLE, -1)
    h = jnp.concatenate([grouped_xyz, grouped_feat], axis=-1)
    for w, bb, g, be in ((sa_w0, sa_b0, sa_g0, sa_be0), (sa_w1, sa_b1, sa_g1, sa_be1), (sa_w2, sa_b2, sa_g2, sa_be2)):
        h = jnp.einsum('bpsc,dc->bpsd', h, w) + bb
        h = jax.nn.relu(g * h + be)
    net = jnp.transpose(jnp.max(h, axis=2), (0, 2, 1))
    net = jax.nn.relu(g1[:, None] * (jnp.einsum('dc,bcn->bdn', w1, net) + b1[:, None]) + be1[:, None])
    net = jax.nn.relu(g2[:, None] * (jnp.einsum('dc,bcn->bdn', w2, net) + b2[:, None]) + be2[:, None])
    net = jnp.einsum('dc,bcn->bdn', w3, net) + b3[:, None]
    nt = jnp.transpose(net, (0, 2, 1))
    obj = nt[:, :, 0:2]
    center = new_xyz + nt[:, :, 2:5]
    hs = nt[:, :, 5:5 + NUM_HEADING_BIN]
    hr = nt[:, :, 5 + NUM_HEADING_BIN:5 + 2 * NUM_HEADING_BIN] * (np.pi / NUM_HEADING_BIN)
    ss = nt[:, :, 5 + 2 * NUM_HEADING_BIN:5 + 2 * NUM_HEADING_BIN + NUM_SIZE_CLUSTER]
    srn = nt[:, :, 5 + 2 * NUM_HEADING_BIN + NUM_SIZE_CLUSTER:5 + 2 * NUM_HEADING_BIN + 4 * NUM_SIZE_CLUSTER].reshape(b, NPOINT, NUM_SIZE_CLUSTER, 3)
    sr = (srn * mean_size_arr[None, None, :, :]).reshape(b, NPOINT, NUM_SIZE_CLUSTER * 3)
    sem = nt[:, :, 5 + 2 * NUM_HEADING_BIN + 4 * NUM_SIZE_CLUSTER:]
    return jnp.concatenate([obj, center, hs, hr, ss, sr, sem], axis=-1)


def setup_inputs(seed: int = 0):
    key = jax.random.key(seed)
    ks = jax.random.split(key, 12)
    def lin(k, o, i):
        return jax.random.normal(k, (o, i), dtype=jnp.float32) * 0.05
    ones = jnp.ones((128,), jnp.float32)
    zeros = jnp.zeros((128,), jnp.float32)
    msa = jnp.tile(jnp.array([[0.5, 0.5, 1.0]], jnp.float32), (NUM_SIZE_CLUSTER, 1))
    return {
        'xyz': jax.random.uniform(ks[0], (B, N, 3), dtype=jnp.float32) * 8.0 - 4.0,
        'features': jax.random.normal(ks[1], (B, C, N), dtype=jnp.float32),
        'sa_w0': lin(ks[2], 128, C + 3), 'sa_b0': zeros, 'sa_g0': ones, 'sa_be0': zeros,
        'sa_w1': lin(ks[3], 128, 128), 'sa_b1': zeros, 'sa_g1': ones, 'sa_be1': zeros,
        'sa_w2': lin(ks[4], 128, 128), 'sa_b2': zeros, 'sa_g2': ones, 'sa_be2': zeros,
        'w1': lin(ks[5], 128, 128), 'b1': zeros, 'g1': ones, 'be1': zeros,
        'w2': lin(ks[6], 128, 128), 'b2': zeros, 'g2': ones, 'be2': zeros,
        'w3': lin(ks[7], OUT_CH, 128), 'b3': jnp.zeros((OUT_CH,), jnp.float32),
        'mean_size_arr': msa,
    }

if __name__ == "__main__":
    import jax
    _d = setup_inputs()
    print(jax.jit(kernel)(*tuple(_d.values())))

</pallas_src>

<mosaic_0001>
#map = affine_map<(d0, d1) -> (0, 0)>
module attributes {stable_mosaic.version = 14 : i64} {
  func.func @gk(%arg0: i32, %arg1: i32, %arg2: memref<16384x128xf32, #tpu.memory_space<hbm>>, %arg3: memref<256x128xi32, #tpu.memory_space<hbm>>, %arg4: memref<32768x128xf32, #tpu.memory_space<hbm>>, %arg5: memref<8x128xi32, #tpu.memory_space<vmem>>, %arg6: memref<128x128xf32, #tpu.memory_space<vmem>>, %arg7: memref<128x128xf32, #tpu.memory_space<vmem>>, %arg8: memref<128x128xf32, #tpu.memory_space<vmem>>, %arg9: memref<128x128xf32, #tpu.memory_space<vmem>>, %arg10: memref<128x128xf32, #tpu.memory_space<vmem>>, %arg11: memref<!tpu.dma_semaphore, #tpu.memory_space<semaphore_mem>>, %arg12: memref<!tpu.dma_semaphore, #tpu.memory_space<semaphore_mem>>, %arg13: memref<!tpu.dma_semaphore, #tpu.memory_space<semaphore_mem>>, %arg14: memref<!tpu.dma_semaphore, #tpu.memory_space<semaphore_mem>>, %arg15: memref<!tpu.dma_semaphore, #tpu.memory_space<semaphore_mem>>, %arg16: memref<!tpu.dma_semaphore, #tpu.memory_space<semaphore_mem>>, %arg17: memref<!tpu.dma_semaphore, #tpu.memory_space<semaphore_mem>>, %arg18: memref<!tpu.dma_semaphore, #tpu.memory_space<semaphore_mem>>, %arg19: memref<!tpu.dma_semaphore, #tpu.memory_space<semaphore_mem>>, %arg20: memref<!tpu.dma_semaphore, #tpu.memory_space<semaphore_mem>>) attributes {dimension_semantics = [#tpu.dimension_semantics<core_parallel>, #tpu.dimension_semantics<subcore_parallel>], iteration_bounds = array<i64: 2, 16>, scalar_prefetch = 0 : i64, scratch_operands = 16 : i64, tpu.core_type = #tpu.core_type<sc_vector_subcore>, window_params = [{transform_indices = #map}, {transform_indices = #map}, {transform_indices = #map}]} {
    %mul3A = arith.constant 2 : i32
    %mul3A_0 = arith.muli %arg1, %mul3A : i32
    %add3A = arith.addi %mul3A_0, %arg0 : i32
    %mul3A_1 = arith.constant 8 : i32
    %mul3A_2 = arith.muli %add3A, %mul3A_1 : i32
    "tpu.region"() ({
      %run_scoped3A = tpu.sem_alloc : memref<!tpu.dma_semaphore, #tpu.memory_space<semaphore_mem>>
      %dma_start3A_209 = arith.constant 0 : i32
      %dma_start3A_210 = tpu.memref_slice %arg3[%mul3A_2, %dma_start3A_209] : memref<256x128xi32, #tpu.memory_space<hbm>> -> memref<8x128xi32, #tpu.memory_space<hbm>>
      %dma_start3A_211 = arith.constant 0 : i32
      %dma_start3A_212 = tpu.memref_slice %arg3[%mul3A_2, %dma_start3A_211] : memref<256x128xi32, #tpu.memory_space<hbm>> -> memref<8x128xi32, #tpu.memory_space<hbm>>
      tpu.enqueue_dma source(%dma_start3A_212 : memref<8x128xi32, #tpu.memory_space<hbm>>) target(%arg5 : memref<8x128xi32, #tpu.memory_space<vmem>>) target_semaphore(%run_scoped3A : memref<!tpu.dma_semaphore, #tpu.memory_space<semaphore_mem>>)
      %dma_wait3A_213 = arith.constant 0 : i32
      %dma_wait3A_214 = tpu.memref_slice %arg3[%mul3A_2, %dma_wait3A_213] : memref<256x128xi32, #tpu.memory_space<hbm>> -> memref<8x128xi32, #tpu.memory_space<hbm>>
      %dma_wait3A_215 = arith.constant 0 : i32
      %dma_wait3A_216 = tpu.memref_slice %arg3[%mul3A_2, %dma_wait3A_215] : memref<256x128xi32, #tpu.memory_space<hbm>> -> memref<8x128xi32, #tpu.memory_space<hbm>>
      tpu.wait_dma2 semaphore(%run_scoped3A : memref<!tpu.dma_semaphore, #tpu.memory_space<semaphore_mem>>) src(%dma_wait3A_216 : memref<8x128xi32, #tpu.memory_space<hbm>>) dst(%arg5 : memref<8x128xi32, #tpu.memory_space<vmem>>)
      tpu.yield
    }) : () -> ()
    %dma_start3A = arith.constant 0 : i32
    %dma_start3A_3 = arith.constant 0 : i32
    %dma_start3A_4 = tpu.memref_slice %arg5[%dma_start3A, %dma_start3A_3] : memref<8x128xi32, #tpu.memory_space<vmem>> -> memref<1x128xi32, #tpu.memory_space<vmem>>
    %dma_start3A_5 = tpu.memref_squeeze %dma_start3A_4 : memref<1x128xi32, #tpu.memory_space<vmem>> -> memref<128xi32, #tpu.memory_space<vmem>>
    %dma_start3A_6 = arith.constant 0 : i32
    %dma_start3A_7 = arith.constant 0 : i32
    %dma_start3A_8 = tpu.memref_slice %arg2[%dma_start3A_6, %dma_start3A_7] : memref<16384x128xf32, #tpu.memory_space<hbm>> -> memref<16384x128xf32, #tpu.memory_space<hbm>>
    tpu.enqueue_indirect_dma source(%dma_start3A_8 : memref<16384x128xf32, #tpu.memory_space<hbm>>) target(%arg6 : memref<128x128xf32, #tpu.memory_space<vmem>>) offsets(%dma_start3A_5 : memref<128xi32, #tpu.memory_space<vmem>>) semaphore(%arg11 : memref<!tpu.dma_semaphore, #tpu.memory_space<semaphore_mem>>)
    %dma_start3A_9 = arith.constant 1 : i32
    %dma_start3A_10 = arith.constant 0 : i32
    %dma_start3A_11 = tpu.memref_slice %arg5[%dma_start3A_9, %dma_start3A_10] : memref<8x128xi32, #tpu.memory_space<vmem>> -> memref<1x128xi32, #tpu.memory_space<vmem>>
    %dma_start3A_12 = tpu.memref_squeeze %dma_start3A_11 : memref<1x128xi32, #tpu.memory_space<vmem>> -> memref<128xi32, #tpu.memory_space<vmem>>
    %dma_start3A_13 = arith.constant 0 : i32
    %dma_start3A_14 = arith.constant 0 : i32
    %dma_start3A_15 = tpu.memref_slice %arg2[%dma_start3A_13, %dma_start3A_14] : memref<16384x128xf32, #tpu.memory_space<hbm>> -> memref<16384x128xf32, #tpu.memory_space<hbm>>
    tpu.enqueue_indirect_dma source(%dma_start3A_15 : memref<16384x128xf32, #tpu.memory_space<hbm>>) target(%arg7 : memref<128x128xf32, #tpu.memory_space<vmem>>) offsets(%dma_start3A_12 : memref<128xi32, #tpu.memory_space<vmem>>) semaphore(%arg12 : memref<!tpu.dma_semaphore, #tpu.memory_space<semaphore_mem>>)
    %dma_start3A_16 = arith.constant 2 : i32
    %dma_start3A_17 = arith.constant 0 : i32
    %dma_start3A_18 = tpu.memref_slice %arg5[%dma_start3A_16, %dma_start3A_17] : memref<8x128xi32, #tpu.memory_space<vmem>> -> memref<1x128xi32, #tpu.memory_space<vmem>>
    %dma_start3A_19 = tpu.memref_squeeze %dma_start3A_18 : memref<1x128xi32, #tpu.memory_space<vmem>> -> memref<128xi32, #tpu.memory_space<vmem>>
    %dma_start3A_20 = arith.constant 0 : i32
    %dma_start3A_21 = arith.constant 0 : i32
    %dma_start3A_22 = tpu.memref_slice %arg2[%dma_start3A_20, %dma_start3A_21] : memref<16384x128xf32, #tpu.memory_space<hbm>> -> memref<16384x128xf32, #tpu.memory_space<hbm>>
    tpu.enqueue_indirect_dma source(%dma_start3A_22 : memref<16384x128xf32, #tpu.memory_space<hbm>>) target(%arg8 : memref<128x128xf32, #tpu.memory_space<vmem>>) offsets(%dma_start3A_19 : memref<128xi32, #tpu.memory_space<vmem>>) semaphore(%arg13 : memref<!tpu.dma_semaphore, #tpu.memory_space<semaphore_mem>>)
    %dma_wait3A = arith.constant 0 : i32
    %dma_wait3A_23 = arith.constant 0 : i32
    %dma_wait3A_24 = tpu.memref_slice %arg5[%dma_wait3A, %dma_wait3A_23] : memref<8x128xi32, #tpu.memory_space<vmem>> -> memref<1x128xi32, #tpu.memory_space<vmem>>
    %dma_wait3A_25 = tpu.memref_squeeze %dma_wait3A_24 : memref<1x128xi32, #tpu.memory_space<vmem>> -> memref<128xi32, #tpu.memory_space<vmem>>
    %dma_wait3A_26 = arith.constant 0 : i32
    %dma_wait3A_27 = arith.constant 0 : i32
    %dma_wait3A_28 = tpu.memref_slice %arg2[%dma_wait3A_26, %dma_wait3A_27] : memref<16384x128xf32, #tpu.memory_space<hbm>> -> memref<16384x128xf32, #tpu.memory_space<hbm>>
    tpu.wait_indirect_dma semaphore(%arg11 : memref<!tpu.dma_semaphore, #tpu.memory_space<semaphore_mem>>) src(%dma_wait3A_28 : memref<16384x128xf32, #tpu.memory_space<hbm>>) dst(%arg6 : memref<128x128xf32, #tpu.memory_space<vmem>>)
    %add3A_29 = arith.constant 0 : i32
    %add3A_30 = arith.addi %mul3A_2, %add3A_29 : i32
    %mul3A_31 = arith.constant 128 : i32
    %mul3A_32 = arith.muli %add3A_30, %mul3A_31 : i32
    %dma_start3A_33 = arith.constant 0 : i32
    %dma_start3A_34 = tpu.memref_slice %arg4[%mul3A_32, %dma_start3A_33] : memref<32768x128xf32, #tpu.memory_space<hbm>> -> memref<128x128xf32, #tpu.memory_space<hbm>>
    %dma_start3A_35 = arith.constant 0 : i32
    %dma_start3A_36 = tpu.memref_slice %arg4[%mul3A_32, %dma_start3A_35] : memref<32768x128xf32, #tpu.memory_space<hbm>> -> memref<128x128xf32, #tpu.memory_space<hbm>>
    tpu.enqueue_dma source(%arg6 : memref<128x128xf32, #tpu.memory_space<vmem>>) target(%dma_start3A_36 : memref<128x128xf32, #tpu.memory_space<hbm>>) target_semaphore(%arg16 : memref<!tpu.dma_semaphore, #tpu.memory_space<semaphore_mem>>)
    %dma_start3A_37 = arith.constant 3 : i32
    %dma_start3A_38 = arith.constant 0 : i32
    %dma_start3A_39 = tpu.memref_slice %arg5[%dma_start3A_37, %dma_start3A_38] : memref<8x128xi32, #tpu.memory_space<vmem>> -> memref<1x128xi32, #tpu.memory_space<vmem>>
    %dma_start3A_40 = tpu.memref_squeeze %dma_start3A_39 : memref<1x128xi32, #tpu.memory_space<vmem>> -> memref<128xi32, #tpu.memory_space<vmem>>
    %dma_start3A_41 = arith.constant 0 : i32
    %dma_start3A_42 = arith.constant 0 : i32
    %dma_start3A_43 = tpu.memref_slice %arg2[%dma_start3A_41, %dma_start3A_42] : memref<16384x128xf32, #tpu.memory_space<hbm>> -> memref<16384x128xf32, #tpu.memory_space<hbm>>
    tpu.enqueue_indirect_dma source(%dma_start3A_43 : memref<16384x128xf32, #tpu.memory_space<hbm>>) target(%arg9 : memref<128x128xf32, #tpu.memory_space<vmem>>) offsets(%dma_start3A_40 : memref<128xi32, #tpu.memory_space<vmem>>) semaphore(%arg14 : memref<!tpu.dma_semaphore, #tpu.memory_space<semaphore_mem>>)
    %dma_wait3A_44 = arith.constant 1 : i32
    %dma_wait3A_45 = arith.constant 0 : i32
    %dma_wait3A_46 = tpu.memref_slice %arg5[%dma_wait3A_44, %dma_wait3A_45] : memref<8x128xi32, #tpu.memory_space<vmem>> -> memref<1x128xi32, #tpu.memory_space<vmem>>
    %dma_wait3A_47 = tpu.memref_squeeze %dma_wait3A_46 : memref<1x128xi32, #tpu.memory_space<vmem>> -> memref<128xi32, #tpu.memory_space<vmem>>
    %dma_wait3A_48 = arith.constant 0 : i32
    %dma_wait3A_49 = arith.constant 0 : i32
    %dma_wait3A_50 = tpu.memref_slice %arg2[%dma_wait3A_48, %dma_wait3A_49] : memref<16384x128xf32, #tpu.memory_space<hbm>> -> memref<16384x128xf32, #tpu.memory_space<hbm>>
    tpu.wait_indirect_dma semaphore(%arg12 : memref<!tpu.dma_semaphore, #tpu.memory_space<semaphore_mem>>) src(%dma_wait3A_50 : memref<16384x128xf32, #tpu.memory_space<hbm>>) dst(%arg7 : memref<128x128xf32, #tpu.memory_space<vmem>>)
    %add3A_51 = arith.constant 1 : i32
    %add3A_52 = arith.addi %mul3A_2, %add3A_51 : i32
    %mul3A_53 = arith.constant 128 : i32
    %mul3A_54 = arith.muli %add3A_52, %mul3A_53 : i32
    %dma_start3A_55 = arith.constant 0 : i32
    %dma_start3A_56 = tpu.memref_slice %arg4[%mul3A_54, %dma_start3A_55] : memref<32768x128xf32, #tpu.memory_space<hbm>> -> memref<128x128xf32, #tpu.memory_space<hbm>>
    %dma_start3A_57 = arith.constant 0 : i32
    %dma_start3A_58 = tpu.memref_slice %arg4[%mul3A_54, %dma_start3A_57] : memref<32768x128xf32, #tpu.memory_space<hbm>> -> memref<128x128xf32, #tpu.memory_space<hbm>>
    tpu.enqueue_dma source(%arg7 : memref<128x128xf32, #tpu.memory_space<vmem>>) target(%dma_start3A_58 : memref<128x128xf32, #tpu.memory_space<hbm>>) target_semaphore(%arg17 : memref<!tpu.dma_semaphore, #tpu.memory_space<semaphore_mem>>)
    %dma_start3A_59 = arith.constant 4 : i32
    %dma_start3A_60 = arith.constant 0 : i32
    %dma_start3A_61 = tpu.memref_slice %arg5[%dma_start3A_59, %dma_start3A_60] : memref<8x128xi32, #tpu.memory_space<vmem>> -> memref<1x128xi32, #tpu.memory_space<vmem>>
    %dma_start3A_62 = tpu.memref_squeeze %dma_start3A_61 : memref<1x128xi32, #tpu.memory_space<vmem>> -> memref<128xi32, #tpu.memory_space<vmem>>
    %dma_start3A_63 = arith.constant 0 : i32
    %dma_start3A_64 = arith.constant 0 : i32
    %dma_start3A_65 = tpu.memref_slice %arg2[%dma_start3A_63, %dma_start3A_64] : memref<16384x128xf32, #tpu.memory_space<hbm>> -> memref<16384x128xf32, #tpu.memory_space<hbm>>
    tpu.enqueue_indirect_dma source(%dma_start3A_65 : memref<16384x128xf32, #tpu.memory_space<hbm>>) target(%arg10 : memref<128x128xf32, #tpu.memory_space<vmem>>) offsets(%dma_start3A_62 : memref<128xi32, #tpu.memory_space<vmem>>) semaphore(%arg15 : memref<!tpu.dma_semaphore, #tpu.memory_space<semaphore_mem>>)
    %dma_wait3A_66 = arith.constant 2 : i32
    %dma_wait3A_67 = arith.constant 0 : i32
    %dma_wait3A_68 = tpu.memref_slice %arg5[%dma_wait3A_66, %dma_wait3A_67] : memref<8x128xi32, #tpu.memory_space<vmem>> -> memref<1x128xi32, #tpu.memory_space<vmem>>
    %dma_wait3A_69 = tpu.memref_squeeze %dma_wait3A_68 : memref<1x128xi32, #tpu.memory_space<vmem>> -> memref<128xi32, #tpu.memory_space<vmem>>
    %dma_wait3A_70 = arith.constant 0 : i32
    %dma_wait3A_71 = arith.constant 0 : i32
    %dma_wait3A_72 = tpu.memref_slice %arg2[%dma_wait3A_70, %dma_wait3A_71] : memref<16384x128xf32, #tpu.memory_space<hbm>> -> memref<16384x128xf32, #tpu.memory_space<hbm>>
    tpu.wait_indirect_dma semaphore(%arg13 : memref<!tpu.dma_semaphore, #tpu.memory_space<semaphore_mem>>) src(%dma_wait3A_72 : memref<16384x128xf32, #tpu.memory_space<hbm>>) dst(%arg8 : memref<128x128xf32, #tpu.memory_space<vmem>>)
    %add3A_73 = arith.constant 2 : i32
    %add3A_74 = arith.addi %mul3A_2, %add3A_73 : i32
    %mul3A_75 = arith.constant 128 : i32
    %mul3A_76 = arith.muli %add3A_74, %mul3A_75 : i32
    %dma_start3A_77 = arith.constant 0 : i32
    %dma_start3A_78 = tpu.memref_slice %arg4[%mul3A_76, %dma_start3A_77] : memref<32768x128xf32, #tpu.memory_space<hbm>> -> memref<128x128xf32, #tpu.memory_space<hbm>>
    %dma_start3A_79 = arith.constant 0 : i32
    %dma_start3A_80 = tpu.memref_slice %arg4[%mul3A_76, %dma_start3A_79] : memref<32768x128xf32, #tpu.memory_space<hbm>> -> memref<128x128xf32, #tpu.memory_space<hbm>>
    tpu.enqueue_dma source(%arg8 : memref<128x128xf32, #tpu.memory_space<vmem>>) target(%dma_start3A_80 : memref<128x128xf32, #tpu.memory_space<hbm>>) target_semaphore(%arg18 : memref<!tpu.dma_semaphore, #tpu.memory_space<semaphore_mem>>)
    %dma_wait3A_81 = arith.constant 0 : i32
    %dma_wait3A_82 = tpu.memref_slice %arg4[%mul3A_32, %dma_wait3A_81] : memref<32768x128xf32, #tpu.memory_space<hbm>> -> memref<128x128xf32, #tpu.memory_space<hbm>>
    %dma_wait3A_83 = arith.constant 0 : i32
    %dma_wait3A_84 = tpu.memref_slice %arg4[%mul3A_32, %dma_wait3A_83] : memref<32768x128xf32, #tpu.memory_space<hbm>> -> memref<128x128xf32, #tpu.memory_space<hbm>>
    tpu.wait_dma2 semaphore(%arg16 : memref<!tpu.dma_semaphore, #tpu.memory_space<semaphore_mem>>) src(%arg6 : memref<128x128xf32, #tpu.memory_space<vmem>>) dst(%dma_wait3A_84 : memref<128x128xf32, #tpu.memory_space<hbm>>)
    %dma_start3A_85 = arith.constant 5 : i32
    %dma_start3A_86 = arith.constant 0 : i32
    %dma_start3A_87 = tpu.memref_slice %arg5[%dma_start3A_85, %dma_start3A_86] : memref<8x128xi32, #tpu.memory_space<vmem>> -> memref<1x128xi32, #tpu.memory_space<vmem>>
    %dma_start3A_88 = tpu.memref_squeeze %dma_start3A_87 : memref<1x128xi32, #tpu.memory_space<vmem>> -> memref<128xi32, #tpu.memory_space<vmem>>
    %dma_start3A_89 = arith.constant 0 : i32
    %dma_start3A_90 = arith.constant 0 : i32
    %dma_start3A_91 = tpu.memref_slice %arg2[%dma_start3A_89, %dma_start3A_90] : memref<16384x128xf32, #tpu.memory_space<hbm>> -> memref<16384x128xf32, #tpu.memory_space<hbm>>
    tpu.enqueue_indirect_dma source(%dma_start3A_91 : memref<16384x128xf32, #tpu.memory_space<hbm>>) target(%arg6 : memref<128x128xf32, #tpu.memory_space<vmem>>) offsets(%dma_start3A_88 : memref<128xi32, #tpu.memory_space<vmem>>) semaphore(%arg11 : memref<!tpu.dma_semaphore, #tpu.memory_space<semaphore_mem>>)
    %dma_wait3A_92 = arith.constant 3 : i32
    %dma_wait3A_93 = arith.constant 0 : i32
    %dma_wait3A_94 = tpu.memref_slice %arg5[%dma_wait3A_92, %dma_wait3A_93] : memref<8x128xi32, #tpu.memory_space<vmem>> -> memref<1x128xi32, #tpu.memory_space<vmem>>
    %dma_wait3A_95 = tpu.memref_squeeze %dma_wait3A_94 : memref<1x128xi32, #tpu.memory_space<vmem>> -> memref<128xi32, #tpu.memory_space<vmem>>
    %dma_wait3A_96 = arith.constant 0 : i32
    %dma_wait3A_97 = arith.constant 0 : i32
    %dma_wait3A_98 = tpu.memref_slice %arg2[%dma_wait3A_96, %dma_wait3A_97] : memref<16384x128xf32, #tpu.memory_space<hbm>> -> memref<16384x128xf32, #tpu.memory_space<hbm>>
    tpu.wait_indirect_dma semaphore(%arg14 : memref<!tpu.dma_semaphore, #tpu.memory_space<semaphore_mem>>) src(%dma_wait3A_98 : memref<16384x128xf32, #tpu.memory_space<hbm>>) dst(%arg9 : memref<128x128xf32, #tpu.memory_space<vmem>>)
    %add3A_99 = arith.constant 3 : i32
    %add3A_100 = arith.addi %mul3A_2, %add3A_99 : i32
    %mul3A_101 = arith.constant 128 : i32
    %mul3A_102 = arith.muli %add3A_100, %mul3A_101 : i32
    %dma_start3A_103 = arith.constant 0 : i32
    %dma_start3A_104 = tpu.memref_slice %arg4[%mul3A_102, %dma_start3A_103] : memref<32768x128xf32, #tpu.memory_space<hbm>> -> memref<128x128xf32, #tpu.memory_space<hbm>>
    %dma_start3A_105 = arith.constant 0 : i32
    %dma_start3A_106 = tpu.memref_slice %arg4[%mul3A_102, %dma_start3A_105] : memref<32768x128xf32, #tpu.memory_space<hbm>> -> memref<128x128xf32, #tpu.memory_space<hbm>>
    tpu.enqueue_dma source(%arg9 : memref<128x128xf32, #tpu.memory_space<vmem>>) target(%dma_start3A_106 : memref<128x128xf32, #tpu.memory_space<hbm>>) target_semaphore(%arg19 : memref<!tpu.dma_semaphore, #tpu.memory_space<semaphore_mem>>)
    %dma_wait3A_107 = arith.constant 0 : i32
    %dma_wait3A_108 = tpu.memref_slice %arg4[%mul3A_54, %dma_wait3A_107] : memref<32768x128xf32, #tpu.memory_space<hbm>> -> memref<128x128xf32, #tpu.memory_space<hbm>>
    %dma_wait3A_109 = arith.constant 0 : i32
    %dma_wait3A_110 = tpu.memref_slice %arg4[%mul3A_54, %dma_wait3A_109] : memref<32768x128xf32, #tpu.memory_space<hbm>> -> memref<128x128xf32, #tpu.memory_space<hbm>>
    tpu.wait_dma2 semaphore(%arg17 : memref<!tpu.dma_semaphore, #tpu.memory_space<semaphore_mem>>) src(%arg7 : memref<128x128xf32, #tpu.memory_space<vmem>>) dst(%dma_wait3A_110 : memref<128x128xf32, #tpu.memory_space<hbm>>)
    %dma_start3A_111 = arith.constant 6 : i32
    %dma_start3A_112 = arith.constant 0 : i32
    %dma_start3A_113 = tpu.memref_slice %arg5[%dma_start3A_111, %dma_start3A_112] : memref<8x128xi32, #tpu.memory_space<vmem>> -> memref<1x128xi32, #tpu.memory_space<vmem>>
    %dma_start3A_114 = tpu.memref_squeeze %dma_start3A_113 : memref<1x128xi32, #tpu.memory_space<vmem>> -> memref<128xi32, #tpu.memory_space<vmem>>
    %dma_start3A_115 = arith.constant 0 : i32
    %dma_start3A_116 = arith.constant 0 : i32
    %dma_start3A_117 = tpu.memref_slice %arg2[%dma_start3A_115, %dma_start3A_116] : memref<16384x128xf32, #tpu.memory_space<hbm>> -> memref<16384x128xf32, #tpu.memory_space<hbm>>
    tpu.enqueue_indirect_dma source(%dma_start3A_117 : memref<16384x128xf32, #tpu.memory_space<hbm>>) target(%arg7 : memref<128x128xf32, #tpu.memory_space<vmem>>) offsets(%dma_start3A_114 : memref<128xi32, #tpu.memory_space<vmem>>) semaphore(%arg12 : memref<!tpu.dma_semaphore, #tpu.memory_space<semaphore_mem>>)
    %dma_wait3A_118 = arith.constant 4 : i32
    %dma_wait3A_119 = arith.constant 0 : i32
    %dma_wait3A_120 = tpu.memref_slice %arg5[%dma_wait3A_118, %dma_wait3A_119] : memref<8x128xi32, #tpu.memory_space<vmem>> -> memref<1x128xi32, #tpu.memory_space<vmem>>
    %dma_wait3A_121 = tpu.memref_squeeze %dma_wait3A_120 : memref<1x128xi32, #tpu.memory_space<vmem>> -> memref<128xi32, #tpu.memory_space<vmem>>
    %dma_wait3A_122 = arith.constant 0 : i32
    %dma_wait3A_123 = arith.constant 0 : i32
    %dma_wait3A_124 = tpu.memref_slice %arg2[%dma_wait3A_122, %dma_wait3A_123] : memref<16384x128xf32, #tpu.memory_space<hbm>> -> memref<16384x128xf32, #tpu.memory_space<hbm>>
    tpu.wait_indirect_dma semaphore(%arg15 : memref<!tpu.dma_semaphore, #tpu.memory_space<semaphore_mem>>) src(%dma_wait3A_124 : memref<16384x128xf32, #tpu.memory_space<hbm>>) dst(%arg10 : memref<128x128xf32, #tpu.memory_space<vmem>>)
    %add3A_125 = arith.constant 4 : i32
    %add3A_126 = arith.addi %mul3A_2, %add3A_125 : i32
    %mul3A_127 = arith.constant 128 : i32
    %mul3A_128 = arith.muli %add3A_126, %mul3A_127 : i32
    %dma_start3A_129 = arith.constant 0 : i32
    %dma_start3A_130 = tpu.memref_slice %arg4[%mul3A_128, %dma_start3A_129] : memref<32768x128xf32, #tpu.memory_space<hbm>> -> memref<128x128xf32, #tpu.memory_space<hbm>>
    %dma_start3A_131 = arith.constant 0 : i32
    %dma_start3A_132 = tpu.memref_slice %arg4[%mul3A_128, %dma_start3A_131] : memref<32768x128xf32, #tpu.memory_space<hbm>> -> memref<128x128xf32, #tpu.memory_space<hbm>>
    tpu.enqueue_dma source(%arg10 : memref<128x128xf32, #tpu.memory_space<vmem>>) target(%dma_start3A_132 : memref<128x128xf32, #tpu.memory_space<hbm>>) target_semaphore(%arg20 : memref<!tpu.dma_semaphore, #tpu.memory_space<semaphore_mem>>)
    %dma_wait3A_133 = arith.constant 0 : i32
    %dma_wait3A_134 = tpu.memref_slice %arg4[%mul3A_76, %dma_wait3A_133] : memref<32768x128xf32, #tpu.memory_space<hbm>> -> memref<128x128xf32, #tpu.memory_space<hbm>>
    %dma_wait3A_135 = arith.constant 0 : i32
    %dma_wait3A_136 = tpu.memref_slice %arg4[%mul3A_76, %dma_wait3A_135] : memref<32768x128xf32, #tpu.memory_space<hbm>> -> memref<128x128xf32, #tpu.memory_space<hbm>>
    tpu.wait_dma2 semaphore(%arg18 : memref<!tpu.dma_semaphore, #tpu.memory_space<semaphore_mem>>) src(%arg8 : memref<128x128xf32, #tpu.memory_space<vmem>>) dst(%dma_wait3A_136 : memref<128x128xf32, #tpu.memory_space<hbm>>)
    %dma_start3A_137 = arith.constant 7 : i32
    %dma_start3A_138 = arith.constant 0 : i32
    %dma_start3A_139 = tpu.memref_slice %arg5[%dma_start3A_137, %dma_start3A_138] : memref<8x128xi32, #tpu.memory_space<vmem>> -> memref<1x128xi32, #tpu.memory_space<vmem>>
    %dma_start3A_140 = tpu.memref_squeeze %dma_start3A_139 : memref<1x128xi32, #tpu.memory_space<vmem>> -> memref<128xi32, #tpu.memory_space<vmem>>
    %dma_start3A_141 = arith.constant 0 : i32
    %dma_start3A_142 = arith.constant 0 : i32
    %dma_start3A_143 = tpu.memref_slice %arg2[%dma_start3A_141, %dma_start3A_142] : memref<16384x128xf32, #tpu.memory_space<hbm>> -> memref<16384x128xf32, #tpu.memory_space<hbm>>
    tpu.enqueue_indirect_dma source(%dma_start3A_143 : memref<16384x128xf32, #tpu.memory_space<hbm>>) target(%arg8 : memref<128x128xf32, #tpu.memory_space<vmem>>) offsets(%dma_start3A_140 : memref<128xi32, #tpu.memory_space<vmem>>) semaphore(%arg13 : memref<!tpu.dma_semaphore, #tpu.memory_space<semaphore_mem>>)
    %dma_wait3A_144 = arith.constant 5 : i32
    %dma_wait3A_145 = arith.constant 0 : i32
    %dma_wait3A_146 = tpu.memref_slice %arg5[%dma_wait3A_144, %dma_wait3A_145] : memref<8x128xi32, #tpu.memory_space<vmem>> -> memref<1x128xi32, #tpu.memory_space<vmem>>
    %dma_wait3A_147 = tpu.memref_squeeze %dma_wait3A_146 : memref<1x128xi32, #tpu.memory_space<vmem>> -> memref<128xi32, #tpu.memory_space<vmem>>
    %dma_wait3A_148 = arith.constant 0 : i32
    %dma_wait3A_149 = arith.constant 0 : i32
    %dma_wait3A_150 = tpu.memref_slice %arg2[%dma_wait3A_148, %dma_wait3A_149] : memref<16384x128xf32, #tpu.memory_space<hbm>> -> memref<16384x128xf32, #tpu.memory_space<hbm>>
    tpu.wait_indirect_dma semaphore(%arg11 : memref<!tpu.dma_semaphore, #tpu.memory_space<semaphore_mem>>) src(%dma_wait3A_150 : memref<16384x128xf32, #tpu.memory_space<hbm>>) dst(%arg6 : memref<128x128xf32, #tpu.memory_space<vmem>>)
    %add3A_151 = arith.constant 5 : i32
    %add3A_152 = arith.addi %mul3A_2, %add3A_151 : i32
    %mul3A_153 = arith.constant 128 : i32
    %mul3A_154 = arith.muli %add3A_152, %mul3A_153 : i32
    %dma_start3A_155 = arith.constant 0 : i32
    %dma_start3A_156 = tpu.memref_slice %arg4[%mul3A_154, %dma_start3A_155] : memref<32768x128xf32, #tpu.memory_space<hbm>> -> memref<128x128xf32, #tpu.memory_space<hbm>>
    %dma_start3A_157 = arith.constant 0 : i32
    %dma_start3A_158 = tpu.memref_slice %arg4[%mul3A_154, %dma_start3A_157] : memref<32768x128xf32, #tpu.memory_space<hbm>> -> memref<128x128xf32, #tpu.memory_space<hbm>>
    tpu.enqueue_dma source(%arg6 : memref<128x128xf32, #tpu.memory_space<vmem>>) target(%dma_start3A_158 : memref<128x128xf32, #tpu.memory_space<hbm>>) target_semaphore(%arg16 : memref<!tpu.dma_semaphore, #tpu.memory_space<semaphore_mem>>)
    %dma_wait3A_159 = arith.constant 6 : i32
    %dma_wait3A_160 = arith.constant 0 : i32
    %dma_wait3A_161 = tpu.memref_slice %arg5[%dma_wait3A_159, %dma_wait3A_160] : memref<8x128xi32, #tpu.memory_space<vmem>> -> memref<1x128xi32, #tpu.memory_space<vmem>>
    %dma_wait3A_162 = tpu.memref_squeeze %dma_wait3A_161 : memref<1x128xi32, #tpu.memory_space<vmem>> -> memref<128xi32, #tpu.memory_space<vmem>>
    %dma_wait3A_163 = arith.constant 0 : i32
    %dma_wait3A_164 = arith.constant 0 : i32
    %dma_wait3A_165 = tpu.memref_slice %arg2[%dma_wait3A_163, %dma_wait3A_164] : memref<16384x128xf32, #tpu.memory_space<hbm>> -> memref<16384x128xf32, #tpu.memory_space<hbm>>
    tpu.wait_indirect_dma semaphore(%arg12 : memref<!tpu.dma_semaphore, #tpu.memory_space<semaphore_mem>>) src(%dma_wait3A_165 : memref<16384x128xf32, #tpu.memory_space<hbm>>) dst(%arg7 : memref<128x128xf32, #tpu.memory_space<vmem>>)
    %add3A_166 = arith.constant 6 : i32
    %add3A_167 = arith.addi %mul3A_2, %add3A_166 : i32
    %mul3A_168 = arith.constant 128 : i32
    %mul3A_169 = arith.muli %add3A_167, %mul3A_168 : i32
    %dma_start3A_170 = arith.constant 0 : i32
    %dma_start3A_171 = tpu.memref_slice %arg4[%mul3A_169, %dma_start3A_170] : memref<32768x128xf32, #tpu.memory_space<hbm>> -> memref<128x128xf32, #tpu.memory_space<hbm>>
    %dma_start3A_172 = arith.constant 0 : i32
    %dma_start3A_173 = tpu.memref_slice %arg4[%mul3A_169, %dma_start3A_172] : memref<32768x128xf32, #tpu.memory_space<hbm>> -> memref<128x128xf32, #tpu.memory_space<hbm>>
    tpu.enqueue_dma source(%arg7 : memref<128x128xf32, #tpu.memory_space<vmem>>) target(%dma_start3A_173 : memref<128x128xf32, #tpu.memory_space<hbm>>) target_semaphore(%arg17 : memref<!tpu.dma_semaphore, #tpu.memory_space<semaphore_mem>>)
    %dma_wait3A_174 = arith.constant 7 : i32
    %dma_wait3A_175 = arith.constant 0 : i32
    %dma_wait3A_176 = tpu.memref_slice %arg5[%dma_wait3A_174, %dma_wait3A_175] : memref<8x128xi32, #tpu.memory_space<vmem>> -> memref<1x128xi32, #tpu.memory_space<vmem>>
    %dma_wait3A_177 = tpu.memref_squeeze %dma_wait3A_176 : memref<1x128xi32, #tpu.memory_space<vmem>> -> memref<128xi32, #tpu.memory_space<vmem>>
    %dma_wait3A_178 = arith.constant 0 : i32
    %dma_wait3A_179 = arith.constant 0 : i32
    %dma_wait3A_180 = tpu.memref_slice %arg2[%dma_wait3A_178, %dma_wait3A_179] : memref<16384x128xf32, #tpu.memory_space<hbm>> -> memref<16384x128xf32, #tpu.memory_space<hbm>>
    tpu.wait_indirect_dma semaphore(%arg13 : memref<!tpu.dma_semaphore, #tpu.memory_space<semaphore_mem>>) src(%dma_wait3A_180 : memref<16384x128xf32, #tpu.memory_space<hbm>>) dst(%arg8 : memref<128x128xf32, #tpu.memory_space<vmem>>)
    %add3A_181 = arith.constant 7 : i32
    %add3A_182 = arith.addi %mul3A_2, %add3A_181 : i32
    %mul3A_183 = arith.constant 128 : i32
    %mul3A_184 = arith.muli %add3A_182, %mul3A_183 : i32
    %dma_start3A_185 = arith.constant 0 : i32
    %dma_start3A_186 = tpu.memref_slice %arg4[%mul3A_184, %dma_start3A_185] : memref<32768x128xf32, #tpu.memory_space<hbm>> -> memref<128x128xf32, #tpu.memory_space<hbm>>
    %dma_start3A_187 = arith.constant 0 : i32
    %dma_start3A_188 = tpu.memref_slice %arg4[%mul3A_184, %dma_start3A_187] : memref<32768x128xf32, #tpu.memory_space<hbm>> -> memref<128x128xf32, #tpu.memory_space<hbm>>
    tpu.enqueue_dma source(%arg8 : memref<128x128xf32, #tpu.memory_space<vmem>>) target(%dma_start3A_188 : memref<128x128xf32, #tpu.memory_space<hbm>>) target_semaphore(%arg18 : memref<!tpu.dma_semaphore, #tpu.memory_space<semaphore_mem>>)
    %dma_wait3A_189 = arith.constant 0 : i32
    %dma_wait3A_190 = tpu.memref_slice %arg4[%mul3A_102, %dma_wait3A_189] : memref<32768x128xf32, #tpu.memory_space<hbm>> -> memref<128x128xf32, #tpu.memory_space<hbm>>
    %dma_wait3A_191 = arith.constant 0 : i32
    %dma_wait3A_192 = tpu.memref_slice %arg4[%mul3A_102, %dma_wait3A_191] : memref<32768x128xf32, #tpu.memory_space<hbm>> -> memref<128x128xf32, #tpu.memory_space<hbm>>
    tpu.wait_dma2 semaphore(%arg19 : memref<!tpu.dma_semaphore, #tpu.memory_space<semaphore_mem>>) src(%arg9 : memref<128x128xf32, #tpu.memory_space<vmem>>) dst(%dma_wait3A_192 : memref<128x128xf32, #tpu.memory_space<hbm>>)
    %dma_wait3A_193 = arith.constant 0 : i32
    %dma_wait3A_194 = tpu.memref_slice %arg4[%mul3A_128, %dma_wait3A_193] : memref<32768x128xf32, #tpu.memory_space<hbm>> -> memref<128x128xf32, #tpu.memory_space<hbm>>
    %dma_wait3A_195 = arith.constant 0 : i32
    %dma_wait3A_196 = tpu.memref_slice %arg4[%mul3A_128, %dma_wait3A_195] : memref<32768x128xf32, #tpu.memory_space<hbm>> -> memref<128x128xf32, #tpu.memory_space<hbm>>
    tpu.wait_dma2 semaphore(%arg20 : memref<!tpu.dma_semaphore, #tpu.memory_space<semaphore_mem>>) src(%arg10 : memref<128x128xf32, #tpu.memory_space<vmem>>) dst(%dma_wait3A_196 : memref<128x128xf32, #tpu.memory_space<hbm>>)
    %dma_wait3A_197 = arith.constant 0 : i32
    %dma_wait3A_198 = tpu.memref_slice %arg4[%mul3A_154, %dma_wait3A_197] : memref<32768x128xf32, #tpu.memory_space<hbm>> -> memref<128x128xf32, #tpu.memory_space<hbm>>
    %dma_wait3A_199 = arith.constant 0 : i32
    %dma_wait3A_200 = tpu.memref_slice %arg4[%mul3A_154, %dma_wait3A_199] : memref<32768x128xf32, #tpu.memory_space<hbm>> -> memref<128x128xf32, #tpu.memory_space<hbm>>
    tpu.wait_dma2 semaphore(%arg16 : memref<!tpu.dma_semaphore, #tpu.memory_space<semaphore_mem>>) src(%arg6 : memref<128x128xf32, #tpu.memory_space<vmem>>) dst(%dma_wait3A_200 : memref<128x128xf32, #tpu.memory_space<hbm>>)
    %dma_wait3A_201 = arith.constant 0 : i32
    %dma_wait3A_202 = tpu.memref_slice %arg4[%mul3A_169, %dma_wait3A_201] : memref<32768x128xf32, #tpu.memory_space<hbm>> -> memref<128x128xf32, #tpu.memory_space<hbm>>
    %dma_wait3A_203 = arith.constant 0 : i32
    %dma_wait3A_204 = tpu.memref_slice %arg4[%mul3A_169, %dma_wait3A_203] : memref<32768x128xf32, #tpu.memory_space<hbm>> -> memref<128x128xf32, #tpu.memory_space<hbm>>
    tpu.wait_dma2 semaphore(%arg17 : memref<!tpu.dma_semaphore, #tpu.memory_space<semaphore_mem>>) src(%arg7 : memref<128x128xf32, #tpu.memory_space<vmem>>) dst(%dma_wait3A_204 : memref<128x128xf32, #tpu.memory_space<hbm>>)
    %dma_wait3A_205 = arith.constant 0 : i32
    %dma_wait3A_206 = tpu.memref_slice %arg4[%mul3A_184, %dma_wait3A_205] : memref<32768x128xf32, #tpu.memory_space<hbm>> -> memref<128x128xf32, #tpu.memory_space<hbm>>
    %dma_wait3A_207 = arith.constant 0 : i32
    %dma_wait3A_208 = tpu.memref_slice %arg4[%mul3A_184, %dma_wait3A_207] : memref<32768x128xf32, #tpu.memory_space<hbm>> -> memref<128x128xf32, #tpu.memory_space<hbm>>
    tpu.wait_dma2 semaphore(%arg18 : memref<!tpu.dma_semaphore, #tpu.memory_space<semaphore_mem>>) src(%arg8 : memref<128x128xf32, #tpu.memory_space<vmem>>) dst(%dma_wait3A_208 : memref<128x128xf32, #tpu.memory_space<hbm>>)
    return
  }
}

#map = affine_map<(d0, d1) -> (0, 0)>
module attributes {stable_mosaic.version = 14 : i64} {
  func.func @gk(%arg0: i32, %arg1: i32, %arg2: memref<16384x128xf32, #tpu.memory_space<hbm>>, %arg3: memref<256x128xi32, #tpu.memory_space<hbm>>, %arg4: memref<32768x128xf32, #tpu.memory_space<hbm>>, %arg5: memref<8x128xi32, #tpu.memory_space<vmem>>, %arg6: memref<128x128xf32, #tpu.memory_space<vmem>>, %arg7: memref<128x128xf32, #tpu.memory_space<vmem>>, %arg8: memref<128x128xf32, #tpu.memory_space<vmem>>, %arg9: memref<128x128xf32, #tpu.memory_space<vmem>>, %arg10: memref<128x128xf32, #tpu.memory_space<vmem>>, %arg11: memref<!tpu.dma_semaphore, #tpu.memory_space<semaphore_mem>>, %arg12: memref<!tpu.dma_semaphore, #tpu.memory_space<semaphore_mem>>, %arg13: memref<!tpu.dma_semaphore, #tpu.memory_space<semaphore_mem>>, %arg14: memref<!tpu.dma_semaphore, #tpu.memory_space<semaphore_mem>>, %arg15: memref<!tpu.dma_semaphore, #tpu.memory_space<semaphore_mem>>, %arg16: memref<!tpu.dma_semaphore, #tpu.memory_space<semaphore_mem>>, %arg17: memref<!tpu.dma_semaphore, #tpu.memory_space<semaphore_mem>>, %arg18: memref<!tpu.dma_semaphore, #tpu.memory_space<semaphore_mem>>, %arg19: memref<!tpu.dma_semaphore, #tpu.memory_space<semaphore_mem>>, %arg20: memref<!tpu.dma_semaphore, #tpu.memory_space<semaphore_mem>>) attributes {dimension_semantics = [#tpu.dimension_semantics<core_parallel>, #tpu.dimension_semantics<subcore_parallel>], iteration_bounds = array<i64: 2, 16>, scalar_prefetch = 0 : i64, scratch_operands = 16 : i64, tpu.core_type = #tpu.core_type<sc_vector_subcore>, window_params = [{transform_indices = #map}, {transform_indices = #map}, {transform_indices = #map}]} {
    %mul3A = arith.constant 2 : i32
    %mul3A_0 = arith.muli %arg1, %mul3A : i32
    %add3A = arith.addi %mul3A_0, %arg0 : i32
    %mul3A_1 = arith.constant 8 : i32
    %mul3A_2 = arith.muli %add3A, %mul3A_1 : i32
    "tpu.region"() ({
      %run_scoped3A = tpu.sem_alloc : memref<!tpu.dma_semaphore, #tpu.memory_space<semaphore_mem>>
      %dma_start3A_209 = arith.constant 0 : i32
      %dma_start3A_210 = tpu.memref_slice %arg3[%mul3A_2, %dma_start3A_209] : memref<256x128xi32, #tpu.memory_space<hbm>> -> memref<8x128xi32, #tpu.memory_space<hbm>>
      %dma_start3A_211 = arith.constant 0 : i32
      %dma_start3A_212 = tpu.memref_slice %arg3[%mul3A_2, %dma_start3A_211] : memref<256x128xi32, #tpu.memory_space<hbm>> -> memref<8x128xi32, #tpu.memory_space<hbm>>
      tpu.enqueue_dma source(%dma_start3A_212 : memref<8x128xi32, #tpu.memory_space<hbm>>) target(%arg5 : memref<8x128xi32, #tpu.memory_space<vmem>>) target_semaphore(%run_scoped3A : memref<!tpu.dma_semaphore, #tpu.memory_space<semaphore_mem>>)
      %dma_wait3A_213 = arith.constant 0 : i32
      %dma_wait3A_214 = tpu.memref_slice %arg3[%mul3A_2, %dma_wait3A_213] : memref<256x128xi32, #tpu.memory_space<hbm>> -> memref<8x128xi32, #tpu.memory_space<hbm>>
      %dma_wait3A_215 = arith.constant 0 : i32
      %dma_wait3A_216 = tpu.memref_slice %arg3[%mul3A_2, %dma_wait3A_215] : memref<256x128xi32, #tpu.memory_space<hbm>> -> memref<8x128xi32, #tpu.memory_space<hbm>>
      tpu.wait_dma2 semaphore(%run_scoped3A : memref<!tpu.dma_semaphore, #tpu.memory_space<semaphore_mem>>) src(%dma_wait3A_216 : memref<8x128xi32, #tpu.memory_space<hbm>>) dst(%arg5 : memref<8x128xi32, #tpu.memory_space<vmem>>)
      tpu.yield
    }) : () -> ()
    %dma_start3A = arith.constant 0 : i32
    %dma_start3A_3 = arith.constant 0 : i32
    %dma_start3A_4 = tpu.memref_slice %arg5[%dma_start3A, %dma_start3A_3] : memref<8x128xi32, #tpu.memory_space<vmem>> -> memref<1x128xi32, #tpu.memory_space<vmem>>
    %dma_start3A_5 = tpu.memref_squeeze %dma_start3A_4 : memref<1x128xi32, #tpu.memory_space<vmem>> -> memref<128xi32, #tpu.memory_space<vmem>>
    %dma_start3A_6 = arith.constant 0 : i32
    %dma_start3A_7 = arith.constant 0 : i32
    %dma_start3A_8 = tpu.memref_slice %arg2[%dma_start3A_6, %dma_start3A_7] : memref<16384x128xf32, #tpu.memory_space<hbm>> -> memref<16384x128xf32, #tpu.memory_space<hbm>>
    tpu.enqueue_indirect_dma source(%dma_start3A_8 : memref<16384x128xf32, #tpu.memory_space<hbm>>) target(%arg6 : memref<128x128xf32, #tpu.memory_space<vmem>>) offsets(%dma_start3A_5 : memref<128xi32, #tpu.memory_space<vmem>>) semaphore(%arg11 : memref<!tpu.dma_semaphore, #tpu.memory_space<semaphore_mem>>)
    %dma_start3A_9 = arith.constant 1 : i32
    %dma_start3A_10 = arith.constant 0 : i32
    %dma_start3A_11 = tpu.memref_slice %arg5[%dma_start3A_9, %dma_start3A_10] : memref<8x128xi32, #tpu.memory_space<vmem>> -> memref<1x128xi32, #tpu.memory_space<vmem>>
    %dma_start3A_12 = tpu.memref_squeeze %dma_start3A_11 : memref<1x128xi32, #tpu.memory_space<vmem>> -> memref<128xi32, #tpu.memory_space<vmem>>
    %dma_start3A_13 = arith.constant 0 : i32
    %dma_start3A_14 = arith.constant 0 : i32
    %dma_start3A_15 = tpu.memref_slice %arg2[%dma_start3A_13, %dma_start3A_14] : memref<16384x128xf32, #tpu.memory_space<hbm>> -> memref<16384x128xf32, #tpu.memory_space<hbm>>
    tpu.enqueue_indirect_dma source(%dma_start3A_15 : memref<16384x128xf32, #tpu.memory_space<hbm>>) target(%arg7 : memref<128x128xf32, #tpu.memory_space<vmem>>) offsets(%dma_start3A_12 : memref<128xi32, #tpu.memory_space<vmem>>) semaphore(%arg12 : memref<!tpu.dma_semaphore, #tpu.memory_space<semaphore_mem>>)
    %dma_start3A_16 = arith.constant 2 : i32
    %dma_start3A_17 = arith.constant 0 : i32
    %dma_start3A_18 = tpu.memref_slice %arg5[%dma_start3A_16, %dma_start3A_17] : memref<8x128xi32, #tpu.memory_space<vmem>> -> memref<1x128xi32, #tpu.memory_space<vmem>>
    %dma_start3A_19 = tpu.memref_squeeze %dma_start3A_18 : memref<1x128xi32, #tpu.memory_space<vmem>> -> memref<128xi32, #tpu.memory_space<vmem>>
    %dma_start3A_20 = arith.constant 0 : i32
    %dma_start3A_21 = arith.constant 0 : i32
    %dma_start3A_22 = tpu.memref_slice %arg2[%dma_start3A_20, %dma_start3A_21] : memref<16384x128xf32, #tpu.memory_space<hbm>> -> memref<16384x128xf32, #tpu.memory_space<hbm>>
    tpu.enqueue_indirect_dma source(%dma_start3A_22 : memref<16384x128xf32, #tpu.memory_space<hbm>>) target(%arg8 : memref<128x128xf32, #tpu.memory_space<vmem>>) offsets(%dma_start3A_19 : memref<128xi32, #tpu.memory_space<vmem>>) semaphore(%arg13 : memref<!tpu.dma_semaphore, #tpu.memory_space<semaphore_mem>>)
    %dma_wait3A = arith.constant 0 : i32
    %dma_wait3A_23 = arith.constant 0 : i32
    %dma_wait3A_24 = tpu.memref_slice %arg5[%dma_wait3A, %dma_wait3A_23] : memref<8x128xi32, #tpu.memory_space<vmem>> -> memref<1x128xi32, #tpu.memory_space<vmem>>
    %dma_wait3A_25 = tpu.memref_squeeze %dma_wait3A_24 : memref<1x128xi32, #tpu.memory_space<vmem>> -> memref<128xi32, #tpu.memory_space<vmem>>
    %dma_wait3A_26 = arith.constant 0 : i32
    %dma_wait3A_27 = arith.constant 0 : i32
    %dma_wait3A_28 = tpu.memref_slice %arg2[%dma_wait3A_26, %dma_wait3A_27] : memref<16384x128xf32, #tpu.memory_space<hbm>> -> memref<16384x128xf32, #tpu.memory_space<hbm>>
    tpu.wait_indirect_dma semaphore(%arg11 : memref<!tpu.dma_semaphore, #tpu.memory_space<semaphore_mem>>) src(%dma_wait3A_28 : memref<16384x128xf32, #tpu.memory_space<hbm>>) dst(%arg6 : memref<128x128xf32, #tpu.memory_space<vmem>>)
    %add3A_29 = arith.constant 0 : i32
    %add3A_30 = arith.addi %mul3A_2, %add3A_29 : i32
    %mul3A_31 = arith.constant 128 : i32
    %mul3A_32 = arith.muli %add3A_30, %mul3A_31 : i32
    %dma_start3A_33 = arith.constant 0 : i32
    %dma_start3A_34 = tpu.memref_slice %arg4[%mul3A_32, %dma_start3A_33] : memref<32768x128xf32, #tpu.memory_space<hbm>> -> memref<128x128xf32, #tpu.memory_space<hbm>>
    %dma_start3A_35 = arith.constant 0 : i32
    %dma_start3A_36 = tpu.memref_slice %arg4[%mul3A_32, %dma_start3A_35] : memref<32768x128xf32, #tpu.memory_space<hbm>> -> memref<128x128xf32, #tpu.memory_space<hbm>>
    tpu.enqueue_dma source(%arg6 : memref<128x128xf32, #tpu.memory_space<vmem>>) target(%dma_start3A_36 : memref<128x128xf32, #tpu.memory_space<hbm>>) target_semaphore(%arg16 : memref<!tpu.dma_semaphore, #tpu.memory_space<semaphore_mem>>)
    %dma_start3A_37 = arith.constant 3 : i32
    %dma_start3A_38 = arith.constant 0 : i32
    %dma_start3A_39 = tpu.memref_slice %arg5[%dma_start3A_37, %dma_start3A_38] : memref<8x128xi32, #tpu.memory_space<vmem>> -> memref<1x128xi32, #tpu.memory_space<vmem>>
    %dma_start3A_40 = tpu.memref_squeeze %dma_start3A_39 : memref<1x128xi32, #tpu.memory_space<vmem>> -> memref<128xi32, #tpu.memory_space<vmem>>
    %dma_start3A_41 = arith.constant 0 : i32
    %dma_start3A_42 = arith.constant 0 : i32
    %dma_start3A_43 = tpu.memref_slice %arg2[%dma_start3A_41, %dma_start3A_42] : memref<16384x128xf32, #tpu.memory_space<hbm>> -> memref<16384x128xf32, #tpu.memory_space<hbm>>
    tpu.enqueue_indirect_dma source(%dma_start3A_43 : memref<16384x128xf32, #tpu.memory_space<hbm>>) target(%arg9 : memref<128x128xf32, #tpu.memory_space<vmem>>) offsets(%dma_start3A_40 : memref<128xi32, #tpu.memory_space<vmem>>) semaphore(%arg14 : memref<!tpu.dma_semaphore, #tpu.memory_space<semaphore_mem>>)
    %dma_wait3A_44 = arith.constant 1 : i32
    %dma_wait3A_45 = arith.constant 0 : i32
    %dma_wait3A_46 = tpu.memref_slice %arg5[%dma_wait3A_44, %dma_wait3A_45] : memref<8x128xi32, #tpu.memory_space<vmem>> -> memref<1x128xi32, #tpu.memory_space<vmem>>
    %dma_wait3A_47 = tpu.memref_squeeze %dma_wait3A_46 : memref<1x128xi32, #tpu.memory_space<vmem>> -> memref<128xi32, #tpu.memory_space<vmem>>
    %dma_wait3A_48 = arith.constant 0 : i32
    %dma_wait3A_49 = arith.constant 0 : i32
    %dma_wait3A_50 = tpu.memref_slice %arg2[%dma_wait3A_48, %dma_wait3A_49] : memref<16384x128xf32, #tpu.memory_space<hbm>> -> memref<16384x128xf32, #tpu.memory_space<hbm>>
    tpu.wait_indirect_dma semaphore(%arg12 : memref<!tpu.dma_semaphore, #tpu.memory_space<semaphore_mem>>) src(%dma_wait3A_50 : memref<16384x128xf32, #tpu.memory_space<hbm>>) dst(%arg7 : memref<128x128xf32, #tpu.memory_space<vmem>>)
    %add3A_51 = arith.constant 1 : i32
    %add3A_52 = arith.addi %mul3A_2, %add3A_51 : i32
    %mul3A_53 = arith.constant 128 : i32
    %mul3A_54 = arith.muli %add3A_52, %mul3A_53 : i32
    %dma_start3A_55 = arith.constant 0 : i32
    %dma_start3A_56 = tpu.memref_slice %arg4[%mul3A_54, %dma_start3A_55] : memref<32768x128xf32, #tpu.memory_space<hbm>> -> memref<128x128xf32, #tpu.memory_space<hbm>>
    %dma_start3A_57 = arith.constant 0 : i32
    %dma_start3A_58 = tpu.memref_slice %arg4[%mul3A_54, %dma_start3A_57] : memref<32768x128xf32, #tpu.memory_space<hbm>> -> memref<128x128xf32, #tpu.memory_space<hbm>>
    tpu.enqueue_dma source(%arg7 : memref<128x128xf32, #tpu.memory_space<vmem>>) target(%dma_start3A_58 : memref<128x128xf32, #tpu.memory_space<hbm>>) target_semaphore(%arg17 : memref<!tpu.dma_semaphore, #tpu.memory_space<semaphore_mem>>)
    %dma_start3A_59 = arith.constant 4 : i32
    %dma_start3A_60 = arith.constant 0 : i32
    %dma_start3A_61 = tpu.memref_slice %arg5[%dma_start3A_59, %dma_start3A_60] : memref<8x128xi32, #tpu.memory_space<vmem>> -> memref<1x128xi32, #tpu.memory_space<vmem>>
    %dma_start3A_62 = tpu.memref_squeeze %dma_start3A_61 : memref<1x128xi32, #tpu.memory_space<vmem>> -> memref<128xi32, #tpu.memory_space<vmem>>
    %dma_start3A_63 = arith.constant 0 : i32
    %dma_start3A_64 = arith.constant 0 : i32
    %dma_start3A_65 = tpu.memref_slice %arg2[%dma_start3A_63, %dma_start3A_64] : memref<16384x128xf32, #tpu.memory_space<hbm>> -> memref<16384x128xf32, #tpu.memory_space<hbm>>
    tpu.enqueue_indirect_dma source(%dma_start3A_65 : memref<16384x128xf32, #tpu.memory_space<hbm>>) target(%arg10 : memref<128x128xf32, #tpu.memory_space<vmem>>) offsets(%dma_start3A_62 : memref<128xi32, #tpu.memory_space<vmem>>) semaphore(%arg15 : memref<!tpu.dma_semaphore, #tpu.memory_space<semaphore_mem>>)
    %dma_wait3A_66 = arith.constant 2 : i32
    %dma_wait3A_67 = arith.constant 0 : i32
    %dma_wait3A_68 = tpu.memref_slice %arg5[%dma_wait3A_66, %dma_wait3A_67] : memref<8x128xi32, #tpu.memory_space<vmem>> -> memref<1x128xi32, #tpu.memory_space<vmem>>
    %dma_wait3A_69 = tpu.memref_squeeze %dma_wait3A_68 : memref<1x128xi32, #tpu.memory_space<vmem>> -> memref<128xi32, #tpu.memory_space<vmem>>
    %dma_wait3A_70 = arith.constant 0 : i32
    %dma_wait3A_71 = arith.constant 0 : i32
    %dma_wait3A_72 = tpu.memref_slice %arg2[%dma_wait3A_70, %dma_wait3A_71] : memref<16384x128xf32, #tpu.memory_space<hbm>> -> memref<16384x128xf32, #tpu.memory_space<hbm>>
    tpu.wait_indirect_dma semaphore(%arg13 : memref<!tpu.dma_semaphore, #tpu.memory_space<semaphore_mem>>) src(%dma_wait3A_72 : memref<16384x128xf32, #tpu.memory_space<hbm>>) dst(%arg8 : memref<128x128xf32, #tpu.memory_space<vmem>>)
    %add3A_73 = arith.constant 2 : i32
    %add3A_74 = arith.addi %mul3A_2, %add3A_73 : i32
    %mul3A_75 = arith.constant 128 : i32
    %mul3A_76 = arith.muli %add3A_74, %mul3A_75 : i32
    %dma_start3A_77 = arith.constant 0 : i32
    %dma_start3A_78 = tpu.memref_slice %arg4[%mul3A_76, %dma_start3A_77] : memref<32768x128xf32, #tpu.memory_space<hbm>> -> memref<128x128xf32, #tpu.memory_space<hbm>>
    %dma_start3A_79 = arith.constant 0 : i32
    %dma_start3A_80 = tpu.memref_slice %arg4[%mul3A_76, %dma_start3A_79] : memref<32768x128xf32, #tpu.memory_space<hbm>> -> memref<128x128xf32, #tpu.memory_space<hbm>>
    tpu.enqueue_dma source(%arg8 : memref<128x128xf32, #tpu.memory_space<vmem>>) target(%dma_start3A_80 : memref<128x128xf32, #tpu.memory_space<hbm>>) target_semaphore(%arg18 : memref<!tpu.dma_semaphore, #tpu.memory_space<semaphore_mem>>)
    %dma_wait3A_81 = arith.constant 0 : i32
    %dma_wait3A_82 = tpu.memref_slice %arg4[%mul3A_32, %dma_wait3A_81] : memref<32768x128xf32, #tpu.memory_space<hbm>> -> memref<128x128xf32, #tpu.memory_space<hbm>>
    %dma_wait3A_83 = arith.constant 0 : i32
    %dma_wait3A_84 = tpu.memref_slice %arg4[%mul3A_32, %dma_wait3A_83] : memref<32768x128xf32, #tpu.memory_space<hbm>> -> memref<128x128xf32, #tpu.memory_space<hbm>>
    tpu.wait_dma2 semaphore(%arg16 : memref<!tpu.dma_semaphore, #tpu.memory_space<semaphore_mem>>) src(%arg6 : memref<128x128xf32, #tpu.memory_space<vmem>>) dst(%dma_wait3A_84 : memref<128x128xf32, #tpu.memory_space<hbm>>)
    %dma_start3A_85 = arith.constant 5 : i32
    %dma_start3A_86 = arith.constant 0 : i32
    %dma_start3A_87 = tpu.memref_slice %arg5[%dma_start3A_85, %dma_start3A_86] : memref<8x128xi32, #tpu.memory_space<vmem>> -> memref<1x128xi32, #tpu.memory_space<vmem>>
    %dma_start3A_88 = tpu.memref_squeeze %dma_start3A_87 : memref<1x128xi32, #tpu.memory_space<vmem>> -> memref<128xi32, #tpu.memory_space<vmem>>
    %dma_start3A_89 = arith.constant 0 : i32
    %dma_start3A_90 = arith.constant 0 : i32
    %dma_start3A_91 = tpu.memref_slice %arg2[%dma_start3A_89, %dma_start3A_90] : memref<16384x128xf32, #tpu.memory_space<hbm>> -> memref<16384x128xf32, #tpu.memory_space<hbm>>
    tpu.enqueue_indirect_dma source(%dma_start3A_91 : memref<16384x128xf32, #tpu.memory_space<hbm>>) target(%arg6 : memref<128x128xf32, #tpu.memory_space<vmem>>) offsets(%dma_start3A_88 : memref<128xi32, #tpu.memory_space<vmem>>) semaphore(%arg11 : memref<!tpu.dma_semaphore, #tpu.memory_space<semaphore_mem>>)
    %dma_wait3A_92 = arith.constant 3 : i32
    %dma_wait3A_93 = arith.constant 0 : i32
    %dma_wait3A_94 = tpu.memref_slice %arg5[%dma_wait3A_92, %dma_wait3A_93] : memref<8x128xi32, #tpu.memory_space<vmem>> -> memref<1x128xi32, #tpu.memory_space<vmem>>
    %dma_wait3A_95 = tpu.memref_squeeze %dma_wait3A_94 : memref<1x128xi32, #tpu.memory_space<vmem>> -> memref<128xi32, #tpu.memory_space<vmem>>
    %dma_wait3A_96 = arith.constant 0 : i32
    %dma_wait3A_97 = arith.constant 0 : i32
    %dma_wait3A_98 = tpu.memref_slice %arg2[%dma_wait3A_96, %dma_wait3A_97] : memref<16384x128xf32, #tpu.memory_space<hbm>> -> memref<16384x128xf32, #tpu.memory_space<hbm>>
    tpu.wait_indirect_dma semaphore(%arg14 : memref<!tpu.dma_semaphore, #tpu.memory_space<semaphore_mem>>) src(%dma_wait3A_98 : memref<16384x128xf32, #tpu.memory_space<hbm>>) dst(%arg9 : memref<128x128xf32, #tpu.memory_space<vmem>>)
    %add3A_99 = arith.constant 3 : i32
    %add3A_100 = arith.addi %mul3A_2, %add3A_99 : i32
    %mul3A_101 = arith.constant 128 : i32
    %mul3A_102 = arith.muli %add3A_100, %mul3A_101 : i32
    %dma_start3A_103 = arith.constant 0 : i32
    %dma_start3A_104 = tpu.memref_slice %arg4[%mul3A_102, %dma_start3A_103] : memref<32768x128xf32, #tpu.memory_space<hbm>> -> memref<128x128xf32, #tpu.memory_space<hbm>>
    %dma_start3A_105 = arith.constant 0 : i32
    %dma_start3A_106 = tpu.memref_slice %arg4[%mul3A_102, %dma_start3A_105] : memref<32768x128xf32, #tpu.memory_space<hbm>> -> memref<128x128xf32, #tpu.memory_space<hbm>>
    tpu.enqueue_dma source(%arg9 : memref<128x128xf32, #tpu.memory_space<vmem>>) target(%dma_start3A_106 : memref<128x128xf32, #tpu.memory_space<hbm>>) target_semaphore(%arg19 : memref<!tpu.dma_semaphore, #tpu.memory_space<semaphore_mem>>)
    %dma_wait3A_107 = arith.constant 0 : i32
    %dma_wait3A_108 = tpu.memref_slice %arg4[%mul3A_54, %dma_wait3A_107] : memref<32768x128xf32, #tpu.memory_space<hbm>> -> memref<128x128xf32, #tpu.memory_space<hbm>>
    %dma_wait3A_109 = arith.constant 0 : i32
    %dma_wait3A_110 = tpu.memref_slice %arg4[%mul3A_54, %dma_wait3A_109] : memref<32768x128xf32, #tpu.memory_space<hbm>> -> memref<128x128xf32, #tpu.memory_space<hbm>>
    tpu.wait_dma2 semaphore(%arg17 : memref<!tpu.dma_semaphore, #tpu.memory_space<semaphore_mem>>) src(%arg7 : memref<128x128xf32, #tpu.memory_space<vmem>>) dst(%dma_wait3A_110 : memref<128x128xf32, #tpu.memory_space<hbm>>)
    %dma_start3A_111 = arith.constant 6 : i32
    %dma_start3A_112 = arith.constant 0 : i32
    %dma_start3A_113 = tpu.memref_slice %arg5[%dma_start3A_111, %dma_start3A_112] : memref<8x128xi32, #tpu.memory_space<vmem>> -> memref<1x128xi32, #tpu.memory_space<vmem>>
    %dma_start3A_114 = tpu.memref_squeeze %dma_start3A_113 : memref<1x128xi32, #tpu.memory_space<vmem>> -> memref<128xi32, #tpu.memory_space<vmem>>
    %dma_start3A_115 = arith.constant 0 : i32
    %dma_start3A_116 = arith.constant 0 : i32
    %dma_start3A_117 = tpu.memref_slice %arg2[%dma_start3A_115, %dma_start3A_116] : memref<16384x128xf32, #tpu.memory_space<hbm>> -> memref<16384x128xf32, #tpu.memory_space<hbm>>
    tpu.enqueue_indirect_dma source(%dma_start3A_117 : memref<16384x128xf32, #tpu.memory_space<hbm>>) target(%arg7 : memref<128x128xf32, #tpu.memory_space<vmem>>) offsets(%dma_start3A_114 : memref<128xi32, #tpu.memory_space<vmem>>) semaphore(%arg12 : memref<!tpu.dma_semaphore, #tpu.memory_space<semaphore_mem>>)
    %dma_wait3A_118 = arith.constant 4 : i32
    %dma_wait3A_119 = arith.constant 0 : i32
    %dma_wait3A_120 = tpu.memref_slice %arg5[%dma_wait3A_118, %dma_wait3A_119] : memref<8x128xi32, #tpu.memory_space<vmem>> -> memref<1x128xi32, #tpu.memory_space<vmem>>
    %dma_wait3A_121 = tpu.memref_squeeze %dma_wait3A_120 : memref<1x128xi32, #tpu.memory_space<vmem>> -> memref<128xi32, #tpu.memory_space<vmem>>
    %dma_wait3A_122 = arith.constant 0 : i32
    %dma_wait3A_123 = arith.constant 0 : i32
    %dma_wait3A_124 = tpu.memref_slice %arg2[%dma_wait3A_122, %dma_wait3A_123] : memref<16384x128xf32, #tpu.memory_space<hbm>> -> memref<16384x128xf32, #tpu.memory_space<hbm>>
    tpu.wait_indirect_dma semaphore(%arg15 : memref<!tpu.dma_semaphore, #tpu.memory_space<semaphore_mem>>) src(%dma_wait3A_124 : memref<16384x128xf32, #tpu.memory_space<hbm>>) dst(%arg10 : memref<128x128xf32, #tpu.memory_space<vmem>>)
    %add3A_125 = arith.constant 4 : i32
    %add3A_126 = arith.addi %mul3A_2, %add3A_125 : i32
    %mul3A_127 = arith.constant 128 : i32
    %mul3A_128 = arith.muli %add3A_126, %mul3A_127 : i32
    %dma_start3A_129 = arith.constant 0 : i32
    %dma_start3A_130 = tpu.memref_slice %arg4[%mul3A_128, %dma_start3A_129] : memref<32768x128xf32, #tpu.memory_space<hbm>> -> memref<128x128xf32, #tpu.memory_space<hbm>>
    %dma_start3A_131 = arith.constant 0 : i32
    %dma_start3A_132 = tpu.memref_slice %arg4[%mul3A_128, %dma_start3A_131] : memref<32768x128xf32, #tpu.memory_space<hbm>> -> memref<128x128xf32, #tpu.memory_space<hbm>>
    tpu.enqueue_dma source(%arg10 : memref<128x128xf32, #tpu.memory_space<vmem>>) target(%dma_start3A_132 : memref<128x128xf32, #tpu.memory_space<hbm>>) target_semaphore(%arg20 : memref<!tpu.dma_semaphore, #tpu.memory_space<semaphore_mem>>)
    %dma_wait3A_133 = arith.constant 0 : i32
    %dma_wait3A_134 = tpu.memref_slice %arg4[%mul3A_76, %dma_wait3A_133] : memref<32768x128xf32, #tpu.memory_space<hbm>> -> memref<128x128xf32, #tpu.memory_space<hbm>>
    %dma_wait3A_135 = arith.constant 0 : i32
    %dma_wait3A_136 = tpu.memref_slice %arg4[%mul3A_76, %dma_wait3A_135] : memref<32768x128xf32, #tpu.memory_space<hbm>> -> memref<128x128xf32, #tpu.memory_space<hbm>>
    tpu.wait_dma2 semaphore(%arg18 : memref<!tpu.dma_semaphore, #tpu.memory_space<semaphore_mem>>) src(%arg8 : memref<128x128xf32, #tpu.memory_space<vmem>>) dst(%dma_wait3A_136 : memref<128x128xf32, #tpu.memory_space<hbm>>)
    %dma_start3A_137 = arith.constant 7 : i32
    %dma_start3A_138 = arith.constant 0 : i32
    %dma_start3A_139 = tpu.memref_slice %arg5[%dma_start3A_137, %dma_start3A_138] : memref<8x128xi32, #tpu.memory_space<vmem>> -> memref<1x128xi32, #tpu.memory_space<vmem>>
    %dma_start3A_140 = tpu.memref_squeeze %dma_start3A_139 : memref<1x128xi32, #tpu.memory_space<vmem>> -> memref<128xi32, #tpu.memory_space<vmem>>
    %dma_start3A_141 = arith.constant 0 : i32
    %dma_start3A_142 = arith.constant 0 : i32
    %dma_start3A_143 = tpu.memref_slice %arg2[%dma_start3A_141, %dma_start3A_142] : memref<16384x128xf32, #tpu.memory_space<hbm>> -> memref<16384x128xf32, #tpu.memory_space<hbm>>
    tpu.enqueue_indirect_dma source(%dma_start3A_143 : memref<16384x128xf32, #tpu.memory_space<hbm>>) target(%arg8 : memref<128x128xf32, #tpu.memory_space<vmem>>) offsets(%dma_start3A_140 : memref<128xi32, #tpu.memory_space<vmem>>) semaphore(%arg13 : memref<!tpu.dma_semaphore, #tpu.memory_space<semaphore_mem>>)
    %dma_wait3A_144 = arith.constant 5 : i32
    %dma_wait3A_145 = arith.constant 0 : i32
    %dma_wait3A_146 = tpu.memref_slice %arg5[%dma_wait3A_144, %dma_wait3A_145] : memref<8x128xi32, #tpu.memory_space<vmem>> -> memref<1x128xi32, #tpu.memory_space<vmem>>
    %dma_wait3A_147 = tpu.memref_squeeze %dma_wait3A_146 : memref<1x128xi32, #tpu.memory_space<vmem>> -> memref<128xi32, #tpu.memory_space<vmem>>
    %dma_wait3A_148 = arith.constant 0 : i32
    %dma_wait3A_149 = arith.constant 0 : i32
    %dma_wait3A_150 = tpu.memref_slice %arg2[%dma_wait3A_148, %dma_wait3A_149] : memref<16384x128xf32, #tpu.memory_space<hbm>> -> memref<16384x128xf32, #tpu.memory_space<hbm>>
    tpu.wait_indirect_dma semaphore(%arg11 : memref<!tpu.dma_semaphore, #tpu.memory_space<semaphore_mem>>) src(%dma_wait3A_150 : memref<16384x128xf32, #tpu.memory_space<hbm>>) dst(%arg6 : memref<128x128xf32, #tpu.memory_space<vmem>>)
    %add3A_151 = arith.constant 5 : i32
    %add3A_152 = arith.addi %mul3A_2, %add3A_151 : i32
    %mul3A_153 = arith.constant 128 : i32
    %mul3A_154 = arith.muli %add3A_152, %mul3A_153 : i32
    %dma_start3A_155 = arith.constant 0 : i32
    %dma_start3A_156 = tpu.memref_slice %arg4[%mul3A_154, %dma_start3A_155] : memref<32768x128xf32, #tpu.memory_space<hbm>> -> memref<128x128xf32, #tpu.memory_space<hbm>>
    %dma_start3A_157 = arith.constant 0 : i32
    %dma_start3A_158 = tpu.memref_slice %arg4[%mul3A_154, %dma_start3A_157] : memref<32768x128xf32, #tpu.memory_space<hbm>> -> memref<128x128xf32, #tpu.memory_space<hbm>>
    tpu.enqueue_dma source(%arg6 : memref<128x128xf32, #tpu.memory_space<vmem>>) target(%dma_start3A_158 : memref<128x128xf32, #tpu.memory_space<hbm>>) target_semaphore(%arg16 : memref<!tpu.dma_semaphore, #tpu.memory_space<semaphore_mem>>)
    %dma_wait3A_159 = arith.constant 6 : i32
    %dma_wait3A_160 = arith.constant 0 : i32
    %dma_wait3A_161 = tpu.memref_slice %arg5[%dma_wait3A_159, %dma_wait3A_160] : memref<8x128xi32, #tpu.memory_space<vmem>> -> memref<1x128xi32, #tpu.memory_space<vmem>>
    %dma_wait3A_162 = tpu.memref_squeeze %dma_wait3A_161 : memref<1x128xi32, #tpu.memory_space<vmem>> -> memref<128xi32, #tpu.memory_space<vmem>>
    %dma_wait3A_163 = arith.constant 0 : i32
    %dma_wait3A_164 = arith.constant 0 : i32
    %dma_wait3A_165 = tpu.memref_slice %arg2[%dma_wait3A_163, %dma_wait3A_164] : memref<16384x128xf32, #tpu.memory_space<hbm>> -> memref<16384x128xf32, #tpu.memory_space<hbm>>
    tpu.wait_indirect_dma semaphore(%arg12 : memref<!tpu.dma_semaphore, #tpu.memory_space<semaphore_mem>>) src(%dma_wait3A_165 : memref<16384x128xf32, #tpu.memory_space<hbm>>) dst(%arg7 : memref<128x128xf32, #tpu.memory_space<vmem>>)
    %add3A_166 = arith.constant 6 : i32
    %add3A_167 = arith.addi %mul3A_2, %add3A_166 : i32
    %mul3A_168 = arith.constant 128 : i32
    %mul3A_169 = arith.muli %add3A_167, %mul3A_168 : i32
    %dma_start3A_170 = arith.constant 0 : i32
    %dma_start3A_171 = tpu.memref_slice %arg4[%mul3A_169, %dma_start3A_170] : memref<32768x128xf32, #tpu.memory_space<hbm>> -> memref<128x128xf32, #tpu.memory_space<hbm>>
    %dma_start3A_172 = arith.constant 0 : i32
    %dma_start3A_173 = tpu.memref_slice %arg4[%mul3A_169, %dma_start3A_172] : memref<32768x128xf32, #tpu.memory_space<hbm>> -> memref<128x128xf32, #tpu.memory_space<hbm>>
    tpu.enqueue_dma source(%arg7 : memref<128x128xf32, #tpu.memory_space<vmem>>) target(%dma_start3A_173 : memref<128x128xf32, #tpu.memory_space<hbm>>) target_semaphore(%arg17 : memref<!tpu.dma_semaphore, #tpu.memory_space<semaphore_mem>>)
    %dma_wait3A_174 = arith.constant 7 : i32
    %dma_wait3A_175 = arith.constant 0 : i32
    %dma_wait3A_176 = tpu.memref_slice %arg5[%dma_wait3A_174, %dma_wait3A_175] : memref<8x128xi32, #tpu.memory_space<vmem>> -> memref<1x128xi32, #tpu.memory_space<vmem>>
    %dma_wait3A_177 = tpu.memref_squeeze %dma_wait3A_176 : memref<1x128xi32, #tpu.memory_space<vmem>> -> memref<128xi32, #tpu.memory_space<vmem>>
    %dma_wait3A_178 = arith.constant 0 : i32
    %dma_wait3A_179 = arith.constant 0 : i32
    %dma_wait3A_180 = tpu.memref_slice %arg2[%dma_wait3A_178, %dma_wait3A_179] : memref<16384x128xf32, #tpu.memory_space<hbm>> -> memref<16384x128xf32, #tpu.memory_space<hbm>>
    tpu.wait_indirect_dma semaphore(%arg13 : memref<!tpu.dma_semaphore, #tpu.memory_space<semaphore_mem>>) src(%dma_wait3A_180 : memref<16384x128xf32, #tpu.memory_space<hbm>>) dst(%arg8 : memref<128x128xf32, #tpu.memory_space<vmem>>)
    %add3A_181 = arith.constant 7 : i32
    %add3A_182 = arith.addi %mul3A_2, %add3A_181 : i32
    %mul3A_183 = arith.constant 128 : i32
    %mul3A_184 = arith.muli %add3A_182, %mul3A_183 : i32
    %dma_start3A_185 = arith.constant 0 : i32
    %dma_start3A_186 = tpu.memref_slice %arg4[%mul3A_184, %dma_start3A_185] : memref<32768x128xf32, #tpu.memory_space<hbm>> -> memref<128x128xf32, #tpu.memory_space<hbm>>
    %dma_start3A_187 = arith.constant 0 : i32
    %dma_start3A_188 = tpu.memref_slice %arg4[%mul3A_184, %dma_start3A_187] : memref<32768x128xf32, #tpu.memory_space<hbm>> -> memref<128x128xf32, #tpu.memory_space<hbm>>
    tpu.enqueue_dma source(%arg8 : memref<128x128xf32, #tpu.memory_space<vmem>>) target(%dma_start3A_188 : memref<128x128xf32, #tpu.memory_space<hbm>>) target_semaphore(%arg18 : memref<!tpu.dma_semaphore, #tpu.memory_space<semaphore_mem>>)
    %dma_wait3A_189 = arith.constant 0 : i32
    %dma_wait3A_190 = tpu.memref_slice %arg4[%mul3A_102, %dma_wait3A_189] : memref<32768x128xf32, #tpu.memory_space<hbm>> -> memref<128x128xf32, #tpu.memory_space<hbm>>
    %dma_wait3A_191 = arith.constant 0 : i32
    %dma_wait3A_192 = tpu.memref_slice %arg4[%mul3A_102, %dma_wait3A_191] : memref<32768x128xf32, #tpu.memory_space<hbm>> -> memref<128x128xf32, #tpu.memory_space<hbm>>
    tpu.wait_dma2 semaphore(%arg19 : memref<!tpu.dma_semaphore, #tpu.memory_space<semaphore_mem>>) src(%arg9 : memref<128x128xf32, #tpu.memory_space<vmem>>) dst(%dma_wait3A_192 : memref<128x128xf32, #tpu.memory_space<hbm>>)
    %dma_wait3A_193 = arith.constant 0 : i32
    %dma_wait3A_194 = tpu.memref_slice %arg4[%mul3A_128, %dma_wait3A_193] : memref<32768x128xf32, #tpu.memory_space<hbm>> -> memref<128x128xf32, #tpu.memory_space<hbm>>
    %dma_wait3A_195 = arith.constant 0 : i32
    %dma_wait3A_196 = tpu.memref_slice %arg4[%mul3A_128, %dma_wait3A_195] : memref<32768x128xf32, #tpu.memory_space<hbm>> -> memref<128x128xf32, #tpu.memory_space<hbm>>
    tpu.wait_dma2 semaphore(%arg20 : memref<!tpu.dma_semaphore, #tpu.memory_space<semaphore_mem>>) src(%arg10 : memref<128x128xf32, #tpu.memory_space<vmem>>) dst(%dma_wait3A_196 : memref<128x128xf32, #tpu.memory_space<hbm>>)
    %dma_wait3A_197 = arith.constant 0 : i32
    %dma_wait3A_198 = tpu.memref_slice %arg4[%mul3A_154, %dma_wait3A_197] : memref<32768x128xf32, #tpu.memory_space<hbm>> -> memref<128x128xf32, #tpu.memory_space<hbm>>
    %dma_wait3A_199 = arith.constant 0 : i32
    %dma_wait3A_200 = tpu.memref_slice %arg4[%mul3A_154, %dma_wait3A_199] : memref<32768x128xf32, #tpu.memory_space<hbm>> -> memref<128x128xf32, #tpu.memory_space<hbm>>
    tpu.wait_dma2 semaphore(%arg16 : memref<!tpu.dma_semaphore, #tpu.memory_space<semaphore_mem>>) src(%arg6 : memref<128x128xf32, #tpu.memory_space<vmem>>) dst(%dma_wait3A_200 : memref<128x128xf32, #tpu.memory_space<hbm>>)
    %dma_wait3A_201 = arith.constant 0 : i32
    %dma_wait3A_202 = tpu.memref_slice %arg4[%mul3A_169, %dma_wait3A_201] : memref<32768x128xf32, #tpu.memory_space<hbm>> -> memref<128x128xf32, #tpu.memory_space<hbm>>
    %dma_wait3A_203 = arith.constant 0 : i32
    %dma_wait3A_204 = tpu.memref_slice %arg4[%mul3A_169, %dma_wait3A_203] : memref<32768x128xf32, #tpu.memory_space<hbm>> -> memref<128x128xf32, #tpu.memory_space<hbm>>
    tpu.wait_dma2 semaphore(%arg17 : memref<!tpu.dma_semaphore, #tpu.memory_space<semaphore_mem>>) src(%arg7 : memref<128x128xf32, #tpu.memory_space<vmem>>) dst(%dma_wait3A_204 : memref<128x128xf32, #tpu.memory_space<hbm>>)
    %dma_wait3A_205 = arith.constant 0 : i32
    %dma_wait3A_206 = tpu.memref_slice %arg4[%mul3A_184, %dma_wait3A_205] : memref<32768x128xf32, #tpu.memory_space<hbm>> -> memref<128x128xf32, #tpu.memory_space<hbm>>
    %dma_wait3A_207 = arith.constant 0 : i32
    %dma_wait3A_208 = tpu.memref_slice %arg4[%mul3A_184, %dma_wait3A_207] : memref<32768x128xf32, #tpu.memory_space<hbm>> -> memref<128x128xf32, #tpu.memory_space<hbm>>
    tpu.wait_dma2 semaphore(%arg18 : memref<!tpu.dma_semaphore, #tpu.memory_space<semaphore_mem>>) src(%arg8 : memref<128x128xf32, #tpu.memory_space<vmem>>) dst(%dma_wait3A_208 : memref<128x128xf32, #tpu.memory_space<hbm>>)
    return
  }
}

module attributes {stable_mosaic.version = 14 : i64} {
  func.func @_fps_body(%arg0: memref<48x2048xf32, #tpu.memory_space<vmem>>, %arg1: memref<48x256xf32, #tpu.memory_space<vmem>>) attributes {dimension_semantics = [], scalar_prefetch = 0 : i64, scratch_operands = 0 : i64, tpu.core_type = #tpu.core_type<tc>} {
    %get3A = arith.constant 0 : index
    %get3A_0 = arith.constant 0 : index
    %get3A_1 = vector.load %arg0[%get3A, %get3A_0] : memref<48x2048xf32, #tpu.memory_space<vmem>>, vector<48x2048xf32>
    %iota3A = tpu.iota {dimensions = array<i32: 1>} : vector<48x2048xi32>
    %iota3A_2 = tpu.iota {dimensions = array<i32: 1>} : vector<16x2048xi32>
    %iota3A_3 = tpu.iota {dimensions = array<i32: 1>} : vector<48x256xi32>
    %broadcast_in_dim3A = arith.constant 1.000000e+10 : f32
    %broadcast_in_dim3A_4 = vector.broadcast %broadcast_in_dim3A : f32 to vector<16x2048xf32>
    %broadcast_in_dim3A_5 = arith.constant 0 : i32
    %broadcast_in_dim3A_6 = vector.broadcast %broadcast_in_dim3A_5 : i32 to vector<16x1xi32>
    %broadcast_in_dim3A_7 = arith.constant 0.000000e+00 : f32
    %broadcast_in_dim3A_8 = vector.broadcast %broadcast_in_dim3A_7 : f32 to vector<48x256xf32>
    %scan3A = arith.constant 0 : i32
    %scan3A_9 = arith.constant 256 : i32
    %scan3A_10 = arith.addi %scan3A, %scan3A_9 : i32
    %scan3A_11 = arith.constant 1 : i32
    %scan3A_12:3 = scf.for %scan3A_16 = %scan3A to %scan3A_10 step %scan3A_11 iter_args(%scan3A_17 = %broadcast_in_dim3A_4, %scan3A_18 = %broadcast_in_dim3A_6, %scan3A_19 = %broadcast_in_dim3A_8) -> (vector<16x2048xf32>, vector<16x1xi32>, vector<48x256xf32>)  : i32 {
      %broadcast_in_dim3A_20 = vector.shape_cast %scan3A_18 : vector<16x1xi32> to vector<16x1x1xi32>
      %broadcast_in_dim3A_21 = vector.shape_cast %broadcast_in_dim3A_20 : vector<16x1x1xi32> to vector<16x1x1xi32>
      %broadcast_in_dim3A_22 = vector.broadcast %broadcast_in_dim3A_21 : vector<16x1x1xi32> to vector<16x3x1xi32>
      %reshape3A = vector.shape_cast %broadcast_in_dim3A_22 : vector<16x3x1xi32> to vector<48x1xi32>
      %eq3A = vector.broadcast %reshape3A : vector<48x1xi32> to vector<48x2048xi32>
      %eq3A_23 = arith.cmpi eq, %iota3A, %eq3A : vector<48x2048xi32>
      %jit3A = arith.constant 0.000000e+00 : f32
      %broadcast_in_dim3A_24 = vector.broadcast %jit3A : f32 to vector<48x2048xf32>
      %select_n3A = arith.select %eq3A_23, %get3A_1, %broadcast_in_dim3A_24 : vector<48x2048xi1>, vector<48x2048xf32>
      %reduce_sum3A = arith.constant dense<0.000000e+00> : vector<48xf32>
      %reduce_sum3A_25 = vector.multi_reduction <add>, %select_n3A, %reduce_sum3A [1] : vector<48x2048xf32> to vector<48xf32>
      %broadcast_in_dim3A_26 = vector.shape_cast %reduce_sum3A_25 : vector<48xf32> to vector<48x1xf32>
      %eq3A_27 = vector.broadcast %scan3A_16 : i32 to vector<48x256xi32>
      %eq3A_28 = arith.cmpi eq, %iota3A_3, %eq3A_27 : vector<48x256xi32>
      %broadcast_in_dim3A_29 = vector.shape_cast %broadcast_in_dim3A_26 : vector<48x1xf32> to vector<48x1xf32>
      %broadcast_in_dim3A_30 = vector.broadcast %broadcast_in_dim3A_29 : vector<48x1xf32> to vector<48x256xf32>
      %select_n3A_31 = arith.select %eq3A_28, %broadcast_in_dim3A_30, %scan3A_19 : vector<48x256xi1>, vector<48x256xf32>
      %sub3A = vector.broadcast %broadcast_in_dim3A_26 : vector<48x1xf32> to vector<48x2048xf32>
      %sub3A_32 = arith.subf %get3A_1, %sub3A : vector<48x2048xf32>
      %mul3A = arith.mulf %sub3A_32, %sub3A_32 : vector<48x2048xf32>
      %reshape3A_33 = vector.shape_cast %mul3A : vector<48x2048xf32> to vector<16x3x2048xf32>
      %slice3A = vector.extract_strided_slice %reshape3A_33 {offsets = [0, 0, 0], sizes = [16, 1, 2048], strides = [1, 1, 1]} : vector<16x3x2048xf32> to vector<16x1x2048xf32>
      %squeeze3A = vector.shape_cast %slice3A : vector<16x1x2048xf32> to vector<16x2048xf32>
      %slice3A_34 = vector.extract_strided_slice %reshape3A_33 {offsets = [0, 1, 0], sizes = [16, 1, 2048], strides = [1, 1, 1]} : vector<16x3x2048xf32> to vector<16x1x2048xf32>
      %squeeze3A_35 = vector.shape_cast %slice3A_34 : vector<16x1x2048xf32> to vector<16x2048xf32>
      %add3A = arith.addf %squeeze3A, %squeeze3A_35 : vector<16x2048xf32>
      %slice3A_36 = vector.extract_strided_slice %reshape3A_33 {offsets = [0, 2, 0], sizes = [16, 1, 2048], strides = [1, 1, 1]} : vector<16x3x2048xf32> to vector<16x1x2048xf32>
      %squeeze3A_37 = vector.shape_cast %slice3A_36 : vector<16x1x2048xf32> to vector<16x2048xf32>
      %add3A_38 = arith.addf %add3A, %squeeze3A_37 : vector<16x2048xf32>
      %min3A = arith.minimumf %scan3A_17, %add3A_38 : vector<16x2048xf32>
      %reduce_max3A = arith.constant dense<0xFF800000> : vector<16xf32>
      %reduce_max3A_39 = vector.multi_reduction <maximumf>, %min3A, %reduce_max3A [1] : vector<16x2048xf32> to vector<16xf32>
      %broadcast_in_dim3A_40 = vector.shape_cast %reduce_max3A_39 : vector<16xf32> to vector<16x1xf32>
      %eq3A_41 = vector.broadcast %broadcast_in_dim3A_40 : vector<16x1xf32> to vector<16x2048xf32>
      %eq3A_42 = arith.cmpf oeq, %min3A, %eq3A_41 : vector<16x2048xf32>
      %jit3A_43 = arith.constant 2048 : i32
      %broadcast_in_dim3A_44 = vector.broadcast %jit3A_43 : i32 to vector<16x2048xi32>
      %select_n3A_45 = arith.select %eq3A_42, %iota3A_2, %broadcast_in_dim3A_44 : vector<16x2048xi1>, vector<16x2048xi32>
      %reduce_min3A = arith.constant dense<2147483647> : vector<16xi32>
      %reduce_min3A_46 = vector.multi_reduction <minsi>, %select_n3A_45, %reduce_min3A [1] : vector<16x2048xi32> to vector<16xi32>
      %broadcast_in_dim3A_47 = vector.shape_cast %reduce_min3A_46 : vector<16xi32> to vector<16x1xi32>
      scf.yield %min3A, %broadcast_in_dim3A_47, %select_n3A_31 : vector<16x2048xf32>, vector<16x1xi32>, vector<48x256xf32>
    }
    %scan3A_13 = arith.constant 256 : i32
    %swap3A = arith.constant 0 : index
    %swap3A_14 = arith.constant 0 : index
    %swap3A_15 = vector.load %arg1[%swap3A, %swap3A_14] : memref<48x256xf32, #tpu.memory_space<vmem>>, vector<48x256xf32>
    tpu.vector_store %arg1[%swap3A, %swap3A_14], %scan3A_12#2 {strides = array<i32>} : memref<48x256xf32, #tpu.memory_space<vmem>>, vector<48x256xf32>,
    return
  }
}

module attributes {stable_mosaic.version = 14 : i64} {
  func.func @_bqpre_body(%arg0: i32, %arg1: memref<1x3x2048xf32, #tpu.memory_space<vmem>>, %arg2: memref<1x3x256xf32, #tpu.memory_space<vmem>>, %arg3: memref<1x128x2048xf32, #tpu.memory_space<vmem>>, %arg4: memref<128x128xf32, #tpu.memory_space<vmem>>, %arg5: memref<128x3xf32, #tpu.memory_space<vmem>>, %arg6: memref<1x128xf32, #tpu.memory_space<vmem>>, %arg7: memref<1x256x16xi32, #tpu.memory_space<vmem>>, %arg8: memref<1x2048x128xf32, #tpu.memory_space<vmem>>) attributes {dimension_semantics = [#tpu.dimension_semantics<arbitrary>], iteration_bounds = array<i64: 8>, scalar_prefetch = 0 : i64, scratch_operands = 0 : i64, tpu.core_type = #tpu.core_type<tc>, window_params = [{transform_indices = @transform_0, window_bounds = array<i64: 1, 3, 2048>}, {transform_indices = @transform_1, window_bounds = array<i64: 1, 3, 256>}, {transform_indices = @transform_2, window_bounds = array<i64: 1, 128, 2048>}, {pipeline_mode = #tpu.pipeline_mode<synchronous>, transform_indices = @transform_3, window_bounds = array<i64: 128, 128>}, {pipeline_mode = #tpu.pipeline_mode<synchronous>, transform_indices = @transform_4, window_bounds = array<i64: 128, 3>}, {pipeline_mode = #tpu.pipeline_mode<synchronous>, transform_indices = @transform_5, window_bounds = array<i64: 1, 128>}, {transform_indices = @transform_6, window_bounds = array<i64: 1, 256, 16>}, {transform_indices = @transform_7, window_bounds = array<i64: 1, 2048, 128>}]} {
    %get3A = arith.constant 0 : index
    %get3A_0 = arith.constant 0 : index
    %get3A_1 = arith.constant 0 : index
    %get3A_2 = vector.load %arg1[%get3A, %get3A_0, %get3A_1] : memref<1x3x2048xf32, #tpu.memory_space<vmem>>, vector<1x3x2048xf32>
    %get3A_3 = vector.shape_cast %get3A_2 : vector<1x3x2048xf32> to vector<3x2048xf32>
    %get3A_4 = arith.constant 0 : index
    %get3A_5 = arith.constant 0 : index
    %get3A_6 = arith.constant 0 : index
    %get3A_7 = vector.load %arg2[%get3A_4, %get3A_5, %get3A_6] : memref<1x3x256xf32, #tpu.memory_space<vmem>>, vector<1x3x256xf32>
    %get3A_8 = vector.shape_cast %get3A_7 : vector<1x3x256xf32> to vector<3x256xf32>
    %get3A_9 = arith.constant 0 : index
    %get3A_10 = arith.constant 0 : index
    %get3A_11 = arith.constant 0 : index
    %get3A_12 = vector.load %arg3[%get3A_9, %get3A_10, %get3A_11] : memref<1x128x2048xf32, #tpu.memory_space<vmem>>, vector<1x128x2048xf32>
    %get3A_13 = vector.shape_cast %get3A_12 : vector<1x128x2048xf32> to vector<128x2048xf32>
    %get3A_14 = arith.constant 0 : index
    %get3A_15 = arith.constant 0 : index
    %get3A_16 = vector.load %arg4[%get3A_14, %get3A_15] : memref<128x128xf32, #tpu.memory_space<vmem>>, vector<128x128xf32>
    %dot_general3A = arith.constant dense<0.000000e+00> : vector<2048x128xf32>
    %dot_general3A_17 = tpu.matmul %get3A_13, %get3A_16, %dot_general3A {dimension_numbers = #tpu.dot_dimension_numbers<[0], [1], [1], [0], [0, 1, 1, 0], [], []>, transpose_lhs_hint = false} : vector<128x2048xf32>, vector<128x128xf32>, vector<2048x128xf32> -> vector<2048x128xf32>
    %mul3A = arith.constant 3.33333325 : f32
    %mul3A_18 = vector.broadcast %mul3A : f32 to vector<3x2048xf32>
    %mul3A_19 = arith.mulf %get3A_3, %mul3A_18 : vector<3x2048xf32>
    %get3A_20 = arith.constant 0 : index
    %get3A_21 = arith.constant 0 : index
    %get3A_22 = vector.load %arg5[%get3A_20, %get3A_21] : memref<128x3xf32, #tpu.memory_space<vmem>>, vector<128x3xf32>
    %dot_general3A_23 = arith.constant dense<0.000000e+00> : vector<2048x128xf32>
    %dot_general3A_24 = tpu.matmul %mul3A_19, %get3A_22, %dot_general3A_23 {dimension_numbers = #tpu.dot_dimension_numbers<[0], [1], [1], [0], [0, 1, 1, 0], [], []>, transpose_lhs_hint = false} : vector<3x2048xf32>, vector<128x3xf32>, vector<2048x128xf32> -> vector<2048x128xf32>
    %add3A = arith.addf %dot_general3A_17, %dot_general3A_24 : vector<2048x128xf32>
    %get3A_25 = arith.constant 0 : index
    %get3A_26 = arith.constant 0 : index
    %get3A_27 = vector.load %arg6[%get3A_25, %get3A_26] : memref<1x128xf32, #tpu.memory_space<vmem>>, vector<1x128xf32>
    %add3A_28 = vector.broadcast %get3A_27 : vector<1x128xf32> to vector<2048x128xf32>
    %add3A_29 = arith.addf %add3A, %add3A_28 : vector<2048x128xf32>
    %swap3A = arith.constant 0 : index
    %swap3A_30 = arith.constant 0 : index
    %swap3A_31 = arith.constant 0 : index
    %swap3A_32 = vector.load %arg8[%swap3A, %swap3A_30, %swap3A_31] : memref<1x2048x128xf32, #tpu.memory_space<vmem>>, vector<1x2048x128xf32>
    %swap3A_33 = vector.shape_cast %swap3A_32 : vector<1x2048x128xf32> to vector<2048x128xf32>
    %swap3A_34 = vector.shape_cast %add3A_29 : vector<2048x128xf32> to vector<1x2048x128xf32>
    tpu.vector_store %arg8[%swap3A, %swap3A_30, %swap3A_31], %swap3A_34 {strides = array<i32>} : memref<1x2048x128xf32, #tpu.memory_space<vmem>>, vector<1x2048x128xf32>,
    %iota3A = tpu.iota {dimensions = array<i32: 0>} : vector<3x1xi32>
    %broadcast_in_dim3A = arith.constant 0.000000e+00 : f32
    %broadcast_in_dim3A_35 = vector.broadcast %broadcast_in_dim3A : f32 to vector<256x2048xf32>
    %eq3A = arith.constant 0 : i32
    %eq3A_36 = vector.broadcast %eq3A : i32 to vector<3x1xi32>
    %eq3A_37 = arith.cmpi eq, %iota3A, %eq3A_36 : vector<3x1xi32>
    %convert_element_type3A = arith.extui %eq3A_37 : vector<3x1xi1> to vector<3x1xi32>
    %convert_element_type3A_38 = arith.sitofp %convert_element_type3A : vector<3x1xi32> to vector<3x1xf32>
    %dot_general3A_39 = arith.constant dense<0.000000e+00> : vector<256x1xf32>
    %dot_general3A_40 = tpu.matmul %get3A_8, %convert_element_type3A_38, %dot_general3A_39 {dimension_numbers = #tpu.dot_dimension_numbers<[0], [0], [1], [1], [0, 1, 1, 1], [], []>, transpose_lhs_hint = false} : vector<3x256xf32>, vector<3x1xf32>, vector<256x1xf32> -> vector<256x1xf32>
    %slice3A = vector.extract_strided_slice %get3A_3 {offsets = [0, 0], sizes = [1, 2048], strides = [1, 1]} : vector<3x2048xf32> to vector<1x2048xf32>
    %sub3A = vector.broadcast %dot_general3A_40 : vector<256x1xf32> to vector<256x2048xf32>
    %sub3A_41 = vector.broadcast %slice3A : vector<1x2048xf32> to vector<256x2048xf32>
    %sub3A_42 = arith.subf %sub3A, %sub3A_41 : vector<256x2048xf32>
    %mul3A_43 = arith.mulf %sub3A_42, %sub3A_42 : vector<256x2048xf32>
    %add3A_44 = arith.addf %broadcast_in_dim3A_35, %mul3A_43 : vector<256x2048xf32>
    %eq3A_45 = arith.constant 1 : i32
    %eq3A_46 = vector.broadcast %eq3A_45 : i32 to vector<3x1xi32>
    %eq3A_47 = arith.cmpi eq, %iota3A, %eq3A_46 : vector<3x1xi32>
    %convert_element_type3A_48 = arith.extui %eq3A_47 : vector<3x1xi1> to vector<3x1xi32>
    %convert_element_type3A_49 = arith.sitofp %convert_element_type3A_48 : vector<3x1xi32> to vector<3x1xf32>
    %dot_general3A_50 = arith.constant dense<0.000000e+00> : vector<256x1xf32>
    %dot_general3A_51 = tpu.matmul %get3A_8, %convert_element_type3A_49, %dot_general3A_50 {dimension_numbers = #tpu.dot_dimension_numbers<[0], [0], [1], [1], [0, 1, 1, 1], [], []>, transpose_lhs_hint = false} : vector<3x256xf32>, vector<3x1xf32>, vector<256x1xf32> -> vector<256x1xf32>
    %slice3A_52 = vector.extract_strided_slice %get3A_3 {offsets = [1, 0], sizes = [1, 2048], strides = [1, 1]} : vector<3x2048xf32> to vector<1x2048xf32>
    %sub3A_53 = vector.broadcast %dot_general3A_51 : vector<256x1xf32> to vector<256x2048xf32>
    %sub3A_54 = vector.broadcast %slice3A_52 : vector<1x2048xf32> to vector<256x2048xf32>
    %sub3A_55 = arith.subf %sub3A_53, %sub3A_54 : vector<256x2048xf32>
    %mul3A_56 = arith.mulf %sub3A_55, %sub3A_55 : vector<256x2048xf32>
    %add3A_57 = arith.addf %add3A_44, %mul3A_56 : vector<256x2048xf32>
    %eq3A_58 = arith.constant 2 : i32
    %eq3A_59 = vector.broadcast %eq3A_58 : i32 to vector<3x1xi32>
    %eq3A_60 = arith.cmpi eq, %iota3A, %eq3A_59 : vector<3x1xi32>
    %convert_element_type3A_61 = arith.extui %eq3A_60 : vector<3x1xi1> to vector<3x1xi32>
    %convert_element_type3A_62 = arith.sitofp %convert_element_type3A_61 : vector<3x1xi32> to vector<3x1xf32>
    %dot_general3A_63 = arith.constant dense<0.000000e+00> : vector<256x1xf32>
    %dot_general3A_64 = tpu.matmul %get3A_8, %convert_element_type3A_62, %dot_general3A_63 {dimension_numbers = #tpu.dot_dimension_numbers<[0], [0], [1], [1], [0, 1, 1, 1], [], []>, transpose_lhs_hint = false} : vector<3x256xf32>, vector<3x1xf32>, vector<256x1xf32> -> vector<256x1xf32>
    %slice3A_65 = vector.extract_strided_slice %get3A_3 {offsets = [2, 0], sizes = [1, 2048], strides = [1, 1]} : vector<3x2048xf32> to vector<1x2048xf32>
    %sub3A_66 = vector.broadcast %dot_general3A_64 : vector<256x1xf32> to vector<256x2048xf32>
    %sub3A_67 = vector.broadcast %slice3A_65 : vector<1x2048xf32> to vector<256x2048xf32>
    %sub3A_68 = arith.subf %sub3A_66, %sub3A_67 : vector<256x2048xf32>
    %mul3A_69 = arith.mulf %sub3A_68, %sub3A_68 : vector<256x2048xf32>
    %add3A_70 = arith.addf %add3A_57, %mul3A_69 : vector<256x2048xf32>
    %iota3A_71 = tpu.iota {dimensions = array<i32: 1>} : vector<256x2048xi32>
    %iota3A_72 = tpu.iota {dimensions = array<i32: 1>} : vector<256x16xi32>
    %lt3A = arith.constant 9.000000e-02 : f32
    %lt3A_73 = vector.broadcast %lt3A : f32 to vector<256x2048xf32>
    %lt3A_74 = arith.cmpf olt, %add3A_70, %lt3A_73 : vector<256x2048xf32>
    %jit3A = arith.constant 2048 : i32
    %broadcast_in_dim3A_75 = vector.broadcast %jit3A : i32 to vector<256x2048xi32>
    %select_n3A = arith.select %lt3A_74, %iota3A_71, %broadcast_in_dim3A_75 : vector<256x2048xi1>, vector<256x2048xi32>
    %reduce_min3A = arith.constant dense<2147483647> : vector<256xi32>
    %reduce_min3A_76 = vector.multi_reduction <minsi>, %select_n3A, %reduce_min3A [1] : vector<256x2048xi32> to vector<256xi32>
    %broadcast_in_dim3A_77 = vector.shape_cast %reduce_min3A_76 : vector<256xi32> to vector<256x1xi32>
    %eq3A_78 = arith.constant 2048 : i32
    %eq3A_79 = vector.broadcast %eq3A_78 : i32 to vector<256x1xi32>
    %eq3A_80 = arith.cmpi eq, %broadcast_in_dim3A_77, %eq3A_79 : vector<256x1xi32>
    %jit3A_81 = arith.constant 0 : i32
    %broadcast_in_dim3A_82 = vector.broadcast %jit3A_81 : i32 to vector<256x1xi32>
    %select_n3A_83 = arith.select %eq3A_80, %broadcast_in_dim3A_82, %broadcast_in_dim3A_77 : vector<256x1xi1>, vector<256x1xi32>
    %broadcast_in_dim3A_84 = vector.shape_cast %select_n3A_83 : vector<256x1xi32> to vector<256x1xi32>
    %broadcast_in_dim3A_85 = vector.broadcast %broadcast_in_dim3A_84 : vector<256x1xi32> to vector<256x16xi32>
    %eq3A_86 = vector.broadcast %broadcast_in_dim3A_77 : vector<256x1xi32> to vector<256x2048xi32>
    %eq3A_87 = arith.cmpi eq, %select_n3A, %eq3A_86 : vector<256x2048xi32>
    %jit3A_88 = arith.constant 2048 : i32
    %broadcast_in_dim3A_89 = vector.broadcast %jit3A_88 : i32 to vector<256x2048xi32>
    %select_n3A_90 = arith.select %eq3A_87, %broadcast_in_dim3A_89, %select_n3A : vector<256x2048xi1>, vector<256x2048xi32>
    %reduce_min3A_91 = vector.shape_cast %select_n3A_90 : vector<256x2048xi32> to vector<1x256x2048xi32>
    %reduce_min3A_92 = arith.constant dense<2147483647> : vector<1xi32>
    %reduce_min3A_93 = vector.multi_reduction <minsi>, %reduce_min3A_91, %reduce_min3A_92 [1, 2] : vector<1x256x2048xi32> to vector<1xi32>
    %reduce_min3A_94 = vector.shape_cast %reduce_min3A_93 : vector<1xi32> to vector<1x1x1xi32>
    %reduce_min3A_95 = vector.extract %reduce_min3A_94[0, 0, 0] : i32 from vector<1x1x1xi32>
    %lt3A_96 = arith.constant 2048 : i32
    %lt3A_97 = arith.cmpi slt, %reduce_min3A_95, %lt3A_96 : i32
    %and3A = arith.constant true
    %and3A_98 = arith.andi %and3A, %lt3A_97 : i1
    %while3A = arith.constant 1 : i32
    %while3A_99:4 = scf.while (%while3A_110 = %while3A, %while3A_111 = %select_n3A_90, %while3A_112 = %broadcast_in_dim3A_85, %while3A_113 = %and3A_98) : (i32, vector<256x2048xi32>, vector<256x16xi32>, i1) -> (i32, vector<256x2048xi32>, vector<256x16xi32>, i1) {
      scf.condition(%while3A_113) %while3A_110, %while3A_111, %while3A_112, %while3A_113 : i32, vector<256x2048xi32>, vector<256x16xi32>, i1
    } do {
    ^bb0(%while3A_110: i32, %while3A_111: vector<256x2048xi32>, %while3A_112: vector<256x16xi32>, %while3A_113: i1):
      %reduce_min3A_114 = arith.constant dense<2147483647> : vector<256xi32>
      %reduce_min3A_115 = vector.multi_reduction <minsi>, %while3A_111, %reduce_min3A_114 [1] : vector<256x2048xi32> to vector<256xi32>
      %broadcast_in_dim3A_116 = vector.shape_cast %reduce_min3A_115 : vector<256xi32> to vector<256x1xi32>
      %eq3A_117 = vector.broadcast %while3A_110 : i32 to vector<256x16xi32>
      %eq3A_118 = arith.cmpi eq, %iota3A_72, %eq3A_117 : vector<256x16xi32>
      %lt3A_119 = arith.constant 2048 : i32
      %lt3A_120 = vector.broadcast %lt3A_119 : i32 to vector<256x1xi32>
      %lt3A_121 = arith.cmpi slt, %broadcast_in_dim3A_116, %lt3A_120 : vector<256x1xi32>
      %and3A_122 = vector.broadcast %lt3A_121 : vector<256x1xi1> to vector<256x16xi1>
      %and3A_123 = arith.andi %eq3A_118, %and3A_122 : vector<256x16xi1>
      %broadcast_in_dim3A_124 = vector.shape_cast %broadcast_in_dim3A_116 : vector<256x1xi32> to vector<256x1xi32>
      %broadcast_in_dim3A_125 = vector.broadcast %broadcast_in_dim3A_124 : vector<256x1xi32> to vector<256x16xi32>
      %select_n3A_126 = arith.select %and3A_123, %broadcast_in_dim3A_125, %while3A_112 : vector<256x16xi1>, vector<256x16xi32>
      %eq3A_127 = vector.broadcast %broadcast_in_dim3A_116 : vector<256x1xi32> to vector<256x2048xi32>
      %eq3A_128 = arith.cmpi eq, %while3A_111, %eq3A_127 : vector<256x2048xi32>
      %jit3A_129 = arith.constant 2048 : i32
      %broadcast_in_dim3A_130 = vector.broadcast %jit3A_129 : i32 to vector<256x2048xi32>
      %select_n3A_131 = arith.select %eq3A_128, %broadcast_in_dim3A_130, %while3A_111 : vector<256x2048xi1>, vector<256x2048xi32>
      %add3A_132 = arith.constant 1 : i32
      %add3A_133 = arith.addi %while3A_110, %add3A_132 : i32
      %lt3A_134 = arith.constant 16 : i32
      %lt3A_135 = arith.cmpi slt, %add3A_133, %lt3A_134 : i32
      %reduce_min3A_136 = vector.shape_cast %broadcast_in_dim3A_116 : vector<256x1xi32> to vector<1x256x1xi32>
      %reduce_min3A_137 = arith.constant dense<2147483647> : vector<1xi32>
      %reduce_min3A_138 = vector.multi_reduction <minsi>, %reduce_min3A_136, %reduce_min3A_137 [1, 2] : vector<1x256x1xi32> to vector<1xi32>
      %reduce_min3A_139 = vector.shape_cast %reduce_min3A_138 : vector<1xi32> to vector<1x1x1xi32>
      %reduce_min3A_140 = vector.extract %reduce_min3A_139[0, 0, 0] : i32 from vector<1x1x1xi32>
      %lt3A_141 = arith.constant 2048 : i32
      %lt3A_142 = arith.cmpi slt, %reduce_min3A_140, %lt3A_141 : i32
      %and3A_143 = arith.andi %lt3A_135, %lt3A_142 : i1
      %add3A_144 = arith.constant 1 : i32
      %add3A_145 = arith.addi %while3A_110, %add3A_144 : i32
      scf.yield %add3A_145, %select_n3A_131, %select_n3A_126, %and3A_143 : i32, vector<256x2048xi32>, vector<256x16xi32>, i1
    }
    %mul3A_100 = arith.constant 2048 : i32
    %mul3A_101 = arith.muli %arg0, %mul3A_100 : i32
    %add3A_102 = vector.broadcast %mul3A_101 : i32 to vector<256x16xi32>
    %add3A_103 = arith.addi %while3A_99#2, %add3A_102 : vector<256x16xi32>
    %swap3A_104 = arith.constant 0 : index
    %swap3A_105 = arith.constant 0 : index
    %swap3A_106 = arith.constant 0 : index
    %swap3A_107 = vector.load %arg7[%swap3A_104, %swap3A_105, %swap3A_106] : memref<1x256x16xi32, #tpu.memory_space<vmem>>, vector<1x256x16xi32>
    %swap3A_108 = vector.shape_cast %swap3A_107 : vector<1x256x16xi32> to vector<256x16xi32>
    %swap3A_109 = vector.shape_cast %add3A_103 : vector<256x16xi32> to vector<1x256x16xi32>
    tpu.vector_store %arg7[%swap3A_104, %swap3A_105, %swap3A_106], %swap3A_109 {strides = array<i32>} : memref<1x256x16xi32, #tpu.memory_space<vmem>>, vector<1x256x16xi32>,
    return
  }
  func.func @transform_0(%arg0: i32) -> (i32, i32, i32) {
    %c0_i32 = arith.constant 0 : i32
    %c0_i32_0 = arith.constant 0 : i32
    %c0_i32_1 = arith.constant 0 : i32
    return %arg0, %c0_i32, %c0_i32_0 : i32, i32, i32
  }
  func.func @transform_1(%arg0: i32) -> (i32, i32, i32) {
    %c0_i32 = arith.constant 0 : i32
    %c0_i32_0 = arith.constant 0 : i32
    %c0_i32_1 = arith.constant 0 : i32
    return %arg0, %c0_i32, %c0_i32_0 : i32, i32, i32
  }
  func.func @transform_2(%arg0: i32) -> (i32, i32, i32) {
    %c0_i32 = arith.constant 0 : i32
    %c0_i32_0 = arith.constant 0 : i32
    %c0_i32_1 = arith.constant 0 : i32
    return %arg0, %c0_i32, %c0_i32_0 : i32, i32, i32
  }
  func.func @transform_3(%arg0: i32) -> (i32, i32) {
    %c0_i32 = arith.constant 0 : i32
    %c0_i32_0 = arith.constant 0 : i32
    %c0_i32_1 = arith.constant 0 : i32
    return %c0_i32, %c0_i32_0 : i32, i32
  }
  func.func @transform_4(%arg0: i32) -> (i32, i32) {
    %c0_i32 = arith.constant 0 : i32
    %c0_i32_0 = arith.constant 0 : i32
    %c0_i32_1 = arith.constant 0 : i32
    return %c0_i32, %c0_i32_0 : i32, i32
  }
  func.func @transform_5(%arg0: i32) -> (i32, i32) {
    %c0_i32 = arith.constant 0 : i32
    %c0_i32_0 = arith.constant 0 : i32
    %c0_i32_1 = arith.constant 0 : i32
    return %c0_i32, %c0_i32_0 : i32, i32
  }
  func.func @transform_6(%arg0: i32) -> (i32, i32, i32) {
    %c0_i32 = arith.constant 0 : i32
    %c0_i32_0 = arith.constant 0 : i32
    %c0_i32_1 = arith.constant 0 : i32
    return %arg0, %c0_i32, %c0_i32_0 : i32, i32, i32
  }
  func.func @transform_7(%arg0: i32) -> (i32, i32, i32) {
    %c0_i32 = arith.constant 0 : i32
    %c0_i32_0 = arith.constant 0 : i32
    %c0_i32_1 = arith.constant 0 : i32
    return %arg0, %c0_i32, %c0_i32_0 : i32, i32, i32
  }
}

module attributes {stable_mosaic.version = 14 : i64} {
  func.func @_head_body(%arg0: i32, %arg1: memref<1x4096x128xf32, #tpu.memory_space<vmem>>, %arg2: memref<1x3x256xf32, #tpu.memory_space<vmem>>, %arg3: memref<128x3xf32, #tpu.memory_space<vmem>>, %arg4: memref<128x128xf32, #tpu.memory_space<vmem>>, %arg5: memref<1x128xf32, #tpu.memory_space<vmem>>, %arg6: memref<128x128xf32, #tpu.memory_space<vmem>>, %arg7: memref<1x128xf32, #tpu.memory_space<vmem>>, %arg8: memref<128x128xf32, #tpu.memory_space<vmem>>, %arg9: memref<1x128xf32, #tpu.memory_space<vmem>>, %arg10: memref<128x128xf32, #tpu.memory_space<vmem>>, %arg11: memref<1x128xf32, #tpu.memory_space<vmem>>, %arg12: memref<119x128xf32, #tpu.memory_space<vmem>>, %arg13: memref<1x119xf32, #tpu.memory_space<vmem>>, %arg14: memref<1x119xf32, #tpu.memory_space<vmem>>, %arg15: memref<3x119xf32, #tpu.memory_space<vmem>>, %arg16: memref<1x256x119xf32, #tpu.memory_space<vmem>>) attributes {dimension_semantics = [#tpu.dimension_semantics<arbitrary>], iteration_bounds = array<i64: 8>, scalar_prefetch = 0 : i64, scratch_operands = 0 : i64, tpu.core_type = #tpu.core_type<tc>, window_params = [{transform_indices = @transform_0, window_bounds = array<i64: 1, 4096, 128>}, {transform_indices = @transform_1, window_bounds = array<i64: 1, 3, 256>}, {pipeline_mode = #tpu.pipeline_mode<synchronous>, transform_indices = @transform_2, window_bounds = array<i64: 128, 3>}, {pipeline_mode = #tpu.pipeline_mode<synchronous>, transform_indices = @transform_3, window_bounds = array<i64: 128, 128>}, {pipeline_mode = #tpu.pipeline_mode<synchronous>, transform_indices = @transform_4, window_bounds = array<i64: 1, 128>}, {pipeline_mode = #tpu.pipeline_mode<synchronous>, transform_indices = @transform_5, window_bounds = array<i64: 128, 128>}, {pipeline_mode = #tpu.pipeline_mode<synchronous>, transform_indices = @transform_6, window_bounds = array<i64: 1, 128>}, {pipeline_mode = #tpu.pipeline_mode<synchronous>, transform_indices = @transform_7, window_bounds = array<i64: 128, 128>}, {pipeline_mode = #tpu.pipeline_mode<synchronous>, transform_indices = @transform_8, window_bounds = array<i64: 1, 128>}, {pipeline_mode = #tpu.pipeline_mode<synchronous>, transform_indices = @transform_9, window_bounds = array<i64: 128, 128>}, {pipeline_mode = #tpu.pipeline_mode<synchronous>, transform_indices = @transform_10, window_bounds = array<i64: 1, 128>}, {pipeline_mode = #tpu.pipeline_mode<synchronous>, transform_indices = @transform_11, window_bounds = array<i64: 119, 128>}, {pipeline_mode = #tpu.pipeline_mode<synchronous>, transform_indices = @transform_12, window_bounds = array<i64: 1, 119>}, {pipeline_mode = #tpu.pipeline_mode<synchronous>, transform_indices = @transform_13, window_bounds = array<i64: 1, 119>}, {pipeline_mode = #tpu.pipeline_mode<synchronous>, transform_indices = @transform_14, window_bounds = array<i64: 3, 119>}, {transform_indices = @transform_15, window_bounds = array<i64: 1, 256, 119>}]} {
    %get3A = arith.constant 0 : index
    %get3A_0 = arith.constant 0 : index
    %get3A_1 = arith.constant 0 : index
    %get3A_2 = vector.load %arg1[%get3A, %get3A_0, %get3A_1] : memref<1x4096x128xf32, #tpu.memory_space<vmem>>, vector<1x4096x128xf32>
    %get3A_3 = vector.shape_cast %get3A_2 : vector<1x4096x128xf32> to vector<4096x128xf32>
    %get3A_4 = arith.constant 0 : index
    %get3A_5 = arith.constant 0 : index
    %get3A_6 = arith.constant 0 : index
    %get3A_7 = vector.load %arg2[%get3A_4, %get3A_5, %get3A_6] : memref<1x3x256xf32, #tpu.memory_space<vmem>>, vector<1x3x256xf32>
    %get3A_8 = vector.shape_cast %get3A_7 : vector<1x3x256xf32> to vector<3x256xf32>
    %mul3A = arith.constant 3.33333325 : f32
    %mul3A_9 = vector.broadcast %mul3A : f32 to vector<3x256xf32>
    %mul3A_10 = arith.mulf %get3A_8, %mul3A_9 : vector<3x256xf32>
    %get3A_11 = arith.constant 0 : index
    %get3A_12 = arith.constant 0 : index
    %get3A_13 = vector.load %arg3[%get3A_11, %get3A_12] : memref<128x3xf32, #tpu.memory_space<vmem>>, vector<128x3xf32>
    %dot_general3A = arith.constant dense<0.000000e+00> : vector<256x128xf32>
    %dot_general3A_14 = tpu.matmul %mul3A_10, %get3A_13, %dot_general3A {dimension_numbers = #tpu.dot_dimension_numbers<[0], [1], [1], [0], [0, 1, 1, 0], [], []>, transpose_lhs_hint = false} : vector<3x256xf32>, vector<128x3xf32>, vector<256x128xf32> -> vector<256x128xf32>
    %broadcast_in_dim3A = vector.shape_cast %dot_general3A_14 : vector<256x128xf32> to vector<256x1x128xf32>
    %broadcast_in_dim3A_15 = vector.shape_cast %broadcast_in_dim3A : vector<256x1x128xf32> to vector<256x1x128xf32>
    %broadcast_in_dim3A_16 = vector.broadcast %broadcast_in_dim3A_15 : vector<256x1x128xf32> to vector<256x16x128xf32>
    %reshape3A = vector.shape_cast %broadcast_in_dim3A_16 : vector<256x16x128xf32> to vector<4096x128xf32>
    %sub3A = arith.subf %get3A_3, %reshape3A : vector<4096x128xf32>
    %max3A = arith.constant 0.000000e+00 : f32
    %max3A_17 = vector.broadcast %max3A : f32 to vector<4096x128xf32>
    %max3A_18 = arith.maximumf %sub3A, %max3A_17 : vector<4096x128xf32>
    %get3A_19 = arith.constant 0 : index
    %get3A_20 = arith.constant 0 : index
    %get3A_21 = vector.load %arg4[%get3A_19, %get3A_20] : memref<128x128xf32, #tpu.memory_space<vmem>>, vector<128x128xf32>
    %dot_general3A_22 = arith.constant dense<0.000000e+00> : vector<4096x128xf32>
    %dot_general3A_23 = tpu.matmul %max3A_18, %get3A_21, %dot_general3A_22 {dimension_numbers = #tpu.dot_dimension_numbers<[1], [1], [0], [0], [0, 0, 1, 0], [], []>, transpose_lhs_hint = false} : vector<4096x128xf32>, vector<128x128xf32>, vector<4096x128xf32> -> vector<4096x128xf32>
    %get3A_24 = arith.constant 0 : index
    %get3A_25 = arith.constant 0 : index
    %get3A_26 = vector.load %arg5[%get3A_24, %get3A_25] : memref<1x128xf32, #tpu.memory_space<vmem>>, vector<1x128xf32>
    %add3A = vector.broadcast %get3A_26 : vector<1x128xf32> to vector<4096x128xf32>
    %add3A_27 = arith.addf %dot_general3A_23, %add3A : vector<4096x128xf32>
    %max3A_28 = arith.constant 0.000000e+00 : f32
    %max3A_29 = vector.broadcast %max3A_28 : f32 to vector<4096x128xf32>
    %max3A_30 = arith.maximumf %add3A_27, %max3A_29 : vector<4096x128xf32>
    %get3A_31 = arith.constant 0 : index
    %get3A_32 = arith.constant 0 : index
    %get3A_33 = vector.load %arg6[%get3A_31, %get3A_32] : memref<128x128xf32, #tpu.memory_space<vmem>>, vector<128x128xf32>
    %dot_general3A_34 = arith.constant dense<0.000000e+00> : vector<4096x128xf32>
    %dot_general3A_35 = tpu.matmul %max3A_30, %get3A_33, %dot_general3A_34 {dimension_numbers = #tpu.dot_dimension_numbers<[1], [1], [0], [0], [0, 0, 1, 0], [], []>, transpose_lhs_hint = false} : vector<4096x128xf32>, vector<128x128xf32>, vector<4096x128xf32> -> vector<4096x128xf32>
    %get3A_36 = arith.constant 0 : index
    %get3A_37 = arith.constant 0 : index
    %get3A_38 = vector.load %arg7[%get3A_36, %get3A_37] : memref<1x128xf32, #tpu.memory_space<vmem>>, vector<1x128xf32>
    %add3A_39 = vector.broadcast %get3A_38 : vector<1x128xf32> to vector<4096x128xf32>
    %add3A_40 = arith.addf %dot_general3A_35, %add3A_39 : vector<4096x128xf32>
    %max3A_41 = arith.constant 0.000000e+00 : f32
    %max3A_42 = vector.broadcast %max3A_41 : f32 to vector<4096x128xf32>
    %max3A_43 = arith.maximumf %add3A_40, %max3A_42 : vector<4096x128xf32>
    %reshape3A_44 = vector.shape_cast %max3A_43 : vector<4096x128xf32> to vector<256x16x128xf32>
    %reduce_max3A = arith.constant dense<0xFF800000> : vector<256x128xf32>
    %reduce_max3A_45 = vector.multi_reduction <maximumf>, %reshape3A_44, %reduce_max3A [1] : vector<256x16x128xf32> to vector<256x128xf32>
    %get3A_46 = arith.constant 0 : index
    %get3A_47 = arith.constant 0 : index
    %get3A_48 = vector.load %arg8[%get3A_46, %get3A_47] : memref<128x128xf32, #tpu.memory_space<vmem>>, vector<128x128xf32>
    %dot_general3A_49 = arith.constant dense<0.000000e+00> : vector<256x128xf32>
    %dot_general3A_50 = tpu.matmul %reduce_max3A_45, %get3A_48, %dot_general3A_49 {dimension_numbers = #tpu.dot_dimension_numbers<[1], [1], [0], [0], [0, 0, 1, 0], [], []>, transpose_lhs_hint = false} : vector<256x128xf32>, vector<128x128xf32>, vector<256x128xf32> -> vector<256x128xf32>
    %get3A_51 = arith.constant 0 : index
    %get3A_52 = arith.constant 0 : index
    %get3A_53 = vector.load %arg9[%get3A_51, %get3A_52] : memref<1x128xf32, #tpu.memory_space<vmem>>, vector<1x128xf32>
    %add3A_54 = vector.broadcast %get3A_53 : vector<1x128xf32> to vector<256x128xf32>
    %add3A_55 = arith.addf %dot_general3A_50, %add3A_54 : vector<256x128xf32>
    %max3A_56 = arith.constant 0.000000e+00 : f32
    %max3A_57 = vector.broadcast %max3A_56 : f32 to vector<256x128xf32>
    %max3A_58 = arith.maximumf %add3A_55, %max3A_57 : vector<256x128xf32>
    %get3A_59 = arith.constant 0 : index
    %get3A_60 = arith.constant 0 : index
    %get3A_61 = vector.load %arg10[%get3A_59, %get3A_60] : memref<128x128xf32, #tpu.memory_space<vmem>>, vector<128x128xf32>
    %dot_general3A_62 = arith.constant dense<0.000000e+00> : vector<256x128xf32>
    %dot_general3A_63 = tpu.matmul %max3A_58, %get3A_61, %dot_general3A_62 {dimension_numbers = #tpu.dot_dimension_numbers<[1], [1], [0], [0], [0, 0, 1, 0], [], []>, transpose_lhs_hint = false} : vector<256x128xf32>, vector<128x128xf32>, vector<256x128xf32> -> vector<256x128xf32>
    %get3A_64 = arith.constant 0 : index
    %get3A_65 = arith.constant 0 : index
    %get3A_66 = vector.load %arg11[%get3A_64, %get3A_65] : memref<1x128xf32, #tpu.memory_space<vmem>>, vector<1x128xf32>
    %add3A_67 = vector.broadcast %get3A_66 : vector<1x128xf32> to vector<256x128xf32>
    %add3A_68 = arith.addf %dot_general3A_63, %add3A_67 : vector<256x128xf32>
    %max3A_69 = arith.constant 0.000000e+00 : f32
    %max3A_70 = vector.broadcast %max3A_69 : f32 to vector<256x128xf32>
    %max3A_71 = arith.maximumf %add3A_68, %max3A_70 : vector<256x128xf32>
    %get3A_72 = arith.constant 0 : index
    %get3A_73 = arith.constant 0 : index
    %get3A_74 = vector.load %arg12[%get3A_72, %get3A_73] : memref<119x128xf32, #tpu.memory_space<vmem>>, vector<119x128xf32>
    %dot_general3A_75 = arith.constant dense<0.000000e+00> : vector<256x119xf32>
    %dot_general3A_76 = tpu.matmul %max3A_71, %get3A_74, %dot_general3A_75 {dimension_numbers = #tpu.dot_dimension_numbers<[1], [1], [0], [0], [0, 0, 1, 0], [], []>, transpose_lhs_hint = false} : vector<256x128xf32>, vector<119x128xf32>, vector<256x119xf32> -> vector<256x119xf32>
    %get3A_77 = arith.constant 0 : index
    %get3A_78 = arith.constant 0 : index
    %get3A_79 = vector.load %arg13[%get3A_77, %get3A_78] : memref<1x119xf32, #tpu.memory_space<vmem>>, vector<1x119xf32>
    %add3A_80 = vector.broadcast %get3A_79 : vector<1x119xf32> to vector<256x119xf32>
    %add3A_81 = arith.addf %dot_general3A_76, %add3A_80 : vector<256x119xf32>
    %get3A_82 = arith.constant 0 : index
    %get3A_83 = arith.constant 0 : index
    %get3A_84 = vector.load %arg14[%get3A_82, %get3A_83] : memref<1x119xf32, #tpu.memory_space<vmem>>, vector<1x119xf32>
    %mul3A_85 = vector.broadcast %get3A_84 : vector<1x119xf32> to vector<256x119xf32>
    %mul3A_86 = arith.mulf %add3A_81, %mul3A_85 : vector<256x119xf32>
    %get3A_87 = arith.constant 0 : index
    %get3A_88 = arith.constant 0 : index
    %get3A_89 = vector.load %arg15[%get3A_87, %get3A_88] : memref<3x119xf32, #tpu.memory_space<vmem>>, vector<3x119xf32>
    %dot_general3A_90 = arith.constant dense<0.000000e+00> : vector<256x119xf32>
    %dot_general3A_91 = tpu.matmul %get3A_8, %get3A_89, %dot_general3A_90 {dimension_numbers = #tpu.dot_dimension_numbers<[0], [0], [1], [1], [0, 1, 1, 1], [], []>, transpose_lhs_hint = false} : vector<3x256xf32>, vector<3x119xf32>, vector<256x119xf32> -> vector<256x119xf32>
    %add3A_92 = arith.addf %mul3A_86, %dot_general3A_91 : vector<256x119xf32>
    %swap3A = arith.constant 0 : index
    %swap3A_93 = arith.constant 0 : index
    %swap3A_94 = arith.constant 0 : index
    %swap3A_95 = vector.load %arg16[%swap3A, %swap3A_93, %swap3A_94] : memref<1x256x119xf32, #tpu.memory_space<vmem>>, vector<1x256x119xf32>
    %swap3A_96 = vector.shape_cast %swap3A_95 : vector<1x256x119xf32> to vector<256x119xf32>
    %swap3A_97 = vector.shape_cast %add3A_92 : vector<256x119xf32> to vector<1x256x119xf32>
    tpu.vector_store %arg16[%swap3A, %swap3A_93, %swap3A_94], %swap3A_97 {strides = array<i32>} : memref<1x256x119xf32, #tpu.memory_space<vmem>>, vector<1x256x119xf32>,
    return
  }
  func.func @transform_0(%arg0: i32) -> (i32, i32, i32) {
    %c0_i32 = arith.constant 0 : i32
    %c0_i32_0 = arith.constant 0 : i32
    %c0_i32_1 = arith.constant 0 : i32
    return %arg0, %c0_i32, %c0_i32_0 : i32, i32, i32
  }
  func.func @transform_1(%arg0: i32) -> (i32, i32, i32) {
    %c0_i32 = arith.constant 0 : i32
    %c0_i32_0 = arith.constant 0 : i32
    %c0_i32_1 = arith.constant 0 : i32
    return %arg0, %c0_i32, %c0_i32_0 : i32, i32, i32
  }
  func.func @transform_2(%arg0: i32) -> (i32, i32) {
    %c0_i32 = arith.constant 0 : i32
    %c0_i32_0 = arith.constant 0 : i32
    %c0_i32_1 = arith.constant 0 : i32
    return %c0_i32, %c0_i32_0 : i32, i32
  }
  func.func @transform_3(%arg0: i32) -> (i32, i32) {
    %c0_i32 = arith.constant 0 : i32
    %c0_i32_0 = arith.constant 0 : i32
    %c0_i32_1 = arith.constant 0 : i32
    return %c0_i32, %c0_i32_0 : i32, i32
  }
  func.func @transform_4(%arg0: i32) -> (i32, i32) {
    %c0_i32 = arith.constant 0 : i32
    %c0_i32_0 = arith.constant 0 : i32
    %c0_i32_1 = arith.constant 0 : i32
    return %c0_i32, %c0_i32_0 : i32, i32
  }
  func.func @transform_5(%arg0: i32) -> (i32, i32) {
    %c0_i32 = arith.constant 0 : i32
    %c0_i32_0 = arith.constant 0 : i32
    %c0_i32_1 = arith.constant 0 : i32
    return %c0_i32, %c0_i32_0 : i32, i32
  }
  func.func @transform_6(%arg0: i32) -> (i32, i32) {
    %c0_i32 = arith.constant 0 : i32
    %c0_i32_0 = arith.constant 0 : i32
    %c0_i32_1 = arith.constant 0 : i32
    return %c0_i32, %c0_i32_0 : i32, i32
  }
  func.func @transform_7(%arg0: i32) -> (i32, i32) {
    %c0_i32 = arith.constant 0 : i32
    %c0_i32_0 = arith.constant 0 : i32
    %c0_i32_1 = arith.constant 0 : i32
    return %c0_i32, %c0_i32_0 : i32, i32
  }
  func.func @transform_8(%arg0: i32) -> (i32, i32) {
    %c0_i32 = arith.constant 0 : i32
    %c0_i32_0 = arith.constant 0 : i32
    %c0_i32_1 = arith.constant 0 : i32
    return %c0_i32, %c0_i32_0 : i32, i32
  }
  func.func @transform_9(%arg0: i32) -> (i32, i32) {
    %c0_i32 = arith.constant 0 : i32
    %c0_i32_0 = arith.constant 0 : i32
    %c0_i32_1 = arith.constant 0 : i32
    return %c0_i32, %c0_i32_0 : i32, i32
  }
  func.func @transform_10(%arg0: i32) -> (i32, i32) {
    %c0_i32 = arith.constant 0 : i32
    %c0_i32_0 = arith.constant 0 : i32
    %c0_i32_1 = arith.constant 0 : i32
    return %c0_i32, %c0_i32_0 : i32, i32
  }
  func.func @transform_11(%arg0: i32) -> (i32, i32) {
    %c0_i32 = arith.constant 0 : i32
    %c0_i32_0 = arith.constant 0 : i32
    %c0_i32_1 = arith.constant 0 : i32
    return %c0_i32, %c0_i32_0 : i32, i32
  }
  func.func @transform_12(%arg0: i32) -> (i32, i32) {
    %c0_i32 = arith.constant 0 : i32
    %c0_i32_0 = arith.constant 0 : i32
    %c0_i32_1 = arith.constant 0 : i32
    return %c0_i32, %c0_i32_0 : i32, i32
  }
  func.func @transform_13(%arg0: i32) -> (i32, i32) {
    %c0_i32 = arith.constant 0 : i32
    %c0_i32_0 = arith.constant 0 : i32
    %c0_i32_1 = arith.constant 0 : i32
    return %c0_i32, %c0_i32_0 : i32, i32
  }
  func.func @transform_14(%arg0: i32) -> (i32, i32) {
    %c0_i32 = arith.constant 0 : i32
    %c0_i32_0 = arith.constant 0 : i32
    %c0_i32_1 = arith.constant 0 : i32
    return %c0_i32, %c0_i32_0 : i32, i32
  }
  func.func @transform_15(%arg0: i32) -> (i32, i32, i32) {
    %c0_i32 = arith.constant 0 : i32
    %c0_i32_0 = arith.constant 0 : i32
    %c0_i32_1 = arith.constant 0 : i32
    return %arg0, %c0_i32, %c0_i32_0 : i32, i32, i32
  }
}

</mosaic_0001>

<sc_bundles>
// kernel: kernel.12.cloned.1.call-start
scs
__scs_entry_jumppad:
0x0: {  	(pc) =	sbr.rel $0x88, $3  }
0x1: {  	(tag) =	ssettag $0x0;
	lr =	simm.s32 $0x1  }
0x2: {  	[smem:$0x3F88] =	sst lr;
	_ =	strace $0xD0000000  }
0x3: {  	_ = 	snop  }
0x4: {  	_ = 	snop  }
0x5: {  	_ = 	snop  }
0x6: {  	_ = 	snop  }
0x7: {  	_ = 	snop  }
__scs_overlays_trampoline_lowered:
0x8: {  	[smem:$0x3F97] =	sst s0  }
0x9: {  	[smem:$0x3F98] =	sst s1  }
0xa: {  	[smem:$0x3F99] =	sst s2  }
0xb: {  	[smem:$0x3F9A] =	sst s3  }
0xc: {  	[smem:$0x3F9B] =	sst s4  }
0xd: {  	[smem:$0x3F9C] =	sst s5  }
0xe: {  	[smem:$0x3F9D] =	sst s6  }
0xf: {  	[smem:$0x3F9E] =	sst s7  }
0x10: {  	[smem:$0x3F9F] =	sst s8  }
0x11: {  	[smem:$0x3FA0] =	sst s9;
	s0 =	simm.s32 @!p0 $0x0  }
0x12: {  	s1 =	sld [smem:$0x3F86];
	s0 =	simm.s32 @p0 $0x1  }
0x13: {  	[smem:$0x3FA1] =	sst s0;
	s0 =	simm.s32 @!p1 $0x0  }
0x14: {  	s2 =	sld [smem:$0x3F85];
	s0 =	simm.s32 @p1 $0x1  }
0x15: {  	[smem:$0x3FA2] =	sst s0;
	s0 =	simm.s32 @!p2 $0x0  }
0x16: {  	s3 =	sld [smem:$0x3FDB];
	s0 =	simm.s32 @p2 $0x1  }
0x17: {  	s4 =	simm.s32 $0x1BF5;
	[smem:$0x3FA4] =	sst s0  }
0x18: {  	s0 =	sld [smem:$0x3F87];
	_ =	swait.ge [sflag:s4], $0x0  }
0x19: {  	s7 =	sld [smem:$0x3F88]  }
0x1a: {  	s8 =	sadd.s32 $0xFFFFE003, lr  }
0x1b: {  	s9 =	sadd.s32 $0xFFFFFEF7, lr;
	s5 =	simm.s32 $0xFFFFFFFF;
	p2 =	slt.u32 s8, $0xFFFFF086  }
0x1c: {  	p1 =	slt.u32 s9, $0xF7A;
	s5 =	simm.s32 @!p2 $0x0  }
0x1d: {  	s5 =	simm.s32 @p1 $0x1;
	p0 =	seq.s32 s7, s2  }
0x1e: {  	s7 =	smul.u32 @!p0 $0xF7A, s2;
	p2 =	seq.s32 @!p0 s5, $0x0  }
0x1f: {  	s9 =	smul.u32 $0xF7A, s1;
	s8 =	simm.s32 @!p0 $0x1BF5;
	p2 =	por !p2, p0  }
0x20: {  	[sflag:s8] =	ssyncset.s32 @!p0 $0xFFFFF086;
	s6 =	sadd.s32 @!p0 s3, s7;
	s7 =	simm.s32 @!p0 $0x108  }
0x21: {  	s3 =	sadd.s32 s3, s9;
	s6 =	sadd.s32 @!p0 $0x88, s6;
	s7 =	simm.s32 @p2 $0x1082  }
0x22: {  	[simem:s7], [sflag:s8] =	dma.local @!p0 [hbm:s6], $0xF7A  }
0x23: {  	s9 =	sor.u32 $0xD0000000, s2;
	s6 =	simm.s32 $0x108;
	_ =	swait.ge @!p0 [sflag:s8], $0x0  }
0x24: {  	s3 =	sadd.s32 $0x88, s3;
	s6 =	simm.s32 @!p1 $0x1082;
	[sflag:s4] =	ssyncset.s32 $0xFFFFF086  }
0x25: {  	[simem:s6], [sflag:s4] =	dma.local [hbm:s3], $0xF7A  }
0x26: {  	[smem:$0x3F88] =	sst s1;
	(tag) =	ssettag s2;
	_ =	strace s9  }
0x27: {  	s1 =	sld [smem:$0x3F98]  }
0x28: {  	s2 =	sld [smem:$0x3F99]  }
0x29: {  	s4 =	sld [smem:$0x3F9B]  }
0x2a: {  	p0 =	seq.s32 s5, $0x0;
	s5 =	sld [smem:$0x3F9C]  }
0x2b: {  	s6 =	sld [smem:$0x3F9D]  }
0x2c: {  	s7 =	sld [smem:$0x3F9E]  }
0x2d: {  	s3 =	simm.s32 $0x108;
	s8 =	sld [smem:$0x3F9F]  }
0x2e: {  	s3 =	simm.s32 @!p0 $0x1082;
	s9 =	sld [smem:$0x3FA0]  }
0x2f: {  	lr =	sadd.s32 s0, s3;
	s0 =	sld [smem:$0x3F97]  }
0x30: {  	s3 =	sld [smem:$0x3F9A]  }
0x31: {  	[smem:$0x3FA3] =	sst s10  }
0x32: {  	s10 =	sld [smem:$0x3FA1];
	_ =	sdelay $0x3  }
0x33: {  	p0 =	seq.s32 s10, $0x1;
	s10 =	sld [smem:$0x3FA3];
	_ =	sdelay $0x3  }
0x34: {  	[smem:$0x3FA3] =	sst s10  }
0x35: {  	s10 =	sld [smem:$0x3FA2];
	_ =	sdelay $0x3  }
0x36: {  	p1 =	seq.s32 s10, $0x1;
	s10 =	sld [smem:$0x3FA3];
	_ =	sdelay $0x3  }
0x37: {  	[smem:$0x3FA3] =	sst s10  }
0x38: {  	s10 =	sld [smem:$0x3FA4]  }
0x39: {  	_ = 	snop;
	(pc) =	sbr.ind lr, $3  }
0x3a: {  	_ = 	snop  }
0x3b: {  	_ = 	snop  }
0x3c: {  	p2 =	seq.s32 s10, $0x1;
	s10 =	sld [smem:$0x3FA3]  }
0x3d: {  	_ =	shalt  }
0x3e: {  	_ =	shalt  }
0x3f: {  	_ =	shalt  }
0x40: {  	_ =	shalt  }
0x41: {  	_ =	shalt  }
0x42: {  	_ =	shalt  }
0x43: {  	_ =	shalt  }
0x44: {  	_ =	shalt  }
0x45: {  	_ =	shalt  }
0x46: {  	_ =	shalt  }
0x47: {  	_ =	shalt  }
0x48: {  	_ =	shalt  }
0x49: {  	_ =	shalt  }
0x4a: {  	_ =	shalt  }
0x4b: {  	_ =	shalt  }
0x4c: {  	_ =	shalt  }
0x4d: {  	_ =	shalt  }
0x4e: {  	_ =	shalt  }
0x4f: {  	_ =	shalt  }
0x50: {  	_ =	shalt  }
0x51: {  	_ =	shalt  }
0x52: {  	_ =	shalt  }
0x53: {  	_ =	shalt  }
0x54: {  	_ =	shalt  }
0x55: {  	_ =	shalt  }
0x56: {  	_ =	shalt  }
0x57: {  	_ =	shalt  }
0x58: {  	_ =	shalt  }
0x59: {  	_ =	shalt  }
0x5a: {  	_ =	shalt  }
0x5b: {  	_ =	shalt  }
0x5c: {  	_ =	shalt  }
0x5d: {  	_ =	shalt  }
0x5e: {  	_ =	shalt  }
0x5f: {  	_ =	shalt  }
0x60: {  	_ =	shalt  }
0x61: {  	_ =	shalt  }
0x62: {  	_ =	shalt  }
0x63: {  	_ =	shalt  }
0x64: {  	_ =	shalt  }
0x65: {  	_ =	shalt  }
0x66: {  	_ =	shalt  }
0x67: {  	_ =	shalt  }
0x68: {  	_ =	shalt  }
0x69: {  	_ =	shalt  }
0x6a: {  	_ =	shalt  }
0x6b: {  	_ =	shalt  }
0x6c: {  	_ =	shalt  }
0x6d: {  	_ =	shalt  }
0x6e: {  	_ =	shalt  }
0x6f: {  	_ =	shalt  }
0x70: {  	_ =	shalt  }
0x71: {  	_ =	shalt  }
0x72: {  	_ =	shalt  }
0x73: {  	_ =	shalt  }
0x74: {  	_ =	shalt  }
0x75: {  	_ =	shalt  }
0x76: {  	_ =	shalt  }
0x77: {  	_ =	shalt  }
0x78: {  	_ =	shalt  }
0x79: {  	_ =	shalt  }
0x7a: {  	_ =	shalt  }
0x7b: {  	_ =	shalt  }
0x7c: {  	_ =	shalt  }
0x7d: {  	_ =	shalt  }
0x7e: {  	_ =	shalt  }
0x7f: {  	_ =	shalt  }
0x80: {  	_ =	shalt  }
0x81: {  	_ =	shalt  }
0x82: {  	_ =	shalt  }
0x83: {  	_ =	shalt  }
0x84: {  	_ =	shalt  }
0x85: {  	_ =	shalt  }
0x86: {  	_ =	shalt  }
0x87: {  	_ =	shalt  }
.Lfunc_end0:
.L_simem_size_0:
called_computation.1_lowered:
.L_overlay_start_0:
0x88: {  	s2 =	sld [smem:$0x3FD9]  }
0x89: {  	s3 =	sld [smem:$0x3FFE];
	_ =	sdelay $0x1  }
0x8a: {  	s1 =	srdreg.scid  }
0x8b: {  	s0 =	sand.u32 $0x1, s1  }
0x8c: {  	s17 =	sshll.u32 s0, $0xA;
	s2 =	sadd.s32 s3, s2  }
0x8d: {  	s2 =	sadd.s32 s2, s17  }
0x8e: {  	[smem:$0x3FAF] =	sst s2  }
0x8f: {  	_ = 	snop  }
0x90: {  	s18 =	sld [smem:$0x3FD0];
	(tm) =	ssettm $0x1  }
0x91: {  	s19 =	sld [smem:$0x3FFB];
	_ =	sdelay $0x3  }
0x92: {  	_ =	strace s19  }
0x93: {  	s2 =	sld [smem:$0x3FFC];
	_ =	sdelay $0x3  }
0x94: {  	_ =	strace s2  }
0x95: {  	s2 =	sld [smem:$0x3FFD];
	_ =	sdelay $0x3  }
0x96: {  	_ =	strace s2  }
0x97: {  	_ =	strace $0x8FFFFFFF  }
0x98: {  	s20 =	sld [smem:$0x3FDB];
	_ =	sdelay $0x1  }
0x99: {  	s4 =	simm.s32 $_scs_section_size  }
0x9a: {  	s5 =	simm.s32 $_size__tile_overlayer_lowered;
	s6 =	simm.s32 $_tile_overlayer_lowered  }
0x9b: {  	s7 =	simm.s32 $0x1BFF;
	s21 =	sshll.u32 s6, $0x1;
	s4 =	sadd.s32 s4, s20  }
0x9c: {  	s22 =	simm.s32 $0x0;
	s5 =	sshll.u32 s5, $0x1;
	s6 =	sadd.s32 s21, s4  }
0x9d: {  	[timem:s22], [sflag:s7] =	dma.local [hbm:s6], s5  }
0x9e: {  	_ =	swait.ge [sflag:s7], s5  }
0x9f: {  	s5 =	ssub.s32 $0x0, s5;
	[sflag:s7] =	ssyncset.done $0x0  }
0xa0: {  	[sflag:s7] =	ssyncadd.s32 s5;
	_ =	sdelay $0x1  }
0xa1: {  	s23 =	simm.s32 $0x1B8B  }
0xa2: {  	_ =	swait.ge [sflag:s23], $0x1  }
0xa3: {  	[sflag:s23] =	ssyncset.done $0x0  }
0xa4: {  	[sflag:s23] =	ssyncadd.s32 $0xFFFFFFFF  }
0xa5: {  	s5 =	sld [smem:$0x0]  }
0xa6: {  	s6 =	sand.u32 $0xFFFFFFFE, s1  }
0xa7: {  	p0 =	sne.s32 s1, s6  }
0xa8: {  	s6 =	sshll.u32 @p0 s6, $0xE  }
0xa9: {  	s6 =	sadd.s32 @p0 $0x11B8D, s6;
	s7 =	sshll.u32 @p0 s5, $0x11  }
0xaa: {  	s6 =	sor.u32 @p0 s7, s6  }
0xab: {  	[sflag:s6] =	ssyncadd.remote.s32 @p0 $0x1;
	_ =	sdelay $0x1  }
0xac: {  	s6 =	simm.s32 @p0 $0x1B8D  }
0xad: {  	_ =	swait.eq @p0 [sflag:s6], $0x1  }
0xae: {  	[sflag:s6] =	ssyncadd.s32 @p0 $0xFFFFFFFF  }
0xaf: {  	s7 =	sshll.u32 @!p0 s1, $0xE  }
0xb0: {  	s7 =	sor.u32 @!p0 $0x4000, s7;
	s6 =	simm.s32 @!p0 $0x1B8D  }
0xb1: {  	s5 =	sshll.u32 @!p0 s5, $0x11;
	s7 =	sadd.s32 @!p0 $0x11B8D, s7;
	_ =	swait.eq @!p0 [sflag:s6], $0x1  }
0xb2: {  	s5 =	sor.u32 @!p0 s5, s7;
	[sflag:s6] =	ssyncadd.s32 @!p0 $0xFFFFFFFF  }
0xb3: {  	s25 =	simm.s32 $0x1B8E;
	s24 =	sld [smem:$0x3FFE];
	[sflag:s5] =	ssyncadd.remote.s32 @!p0 $0x1  }
0xb4: {  	s26 =	simm.s32 $execute0_lowered;
	[smem:$0x3FD2] =	sst s25  }
0xb5: {  	s6 =	sshll.u32 s26, $0x1;
	_ =	strace $0x80000049;
	[dreg:$0x1] =	wrdreg $0xFFFFFFFF  }
0xb6: {  	s28 =	simm.s32 $_size_execute0_lowered;
	s4 =	sadd.s32 s4, s6;
	[dreg:$0x0] =	wrdreg $0x0  }
0xb7: {  	s6 =	sshll.u32 s28, $0x1;
	[dreg:$0x2] =	wrdreg s4  }
0xb8: {  	[dreg:$0x3] =	wrdreg s6  }
0xb9: {  	[dreg:$0x4] =	wrdreg $0xC0  }
0xba: {  	_ =	task [dreg:s22], $0x5FFFF  }
0xbb: {  	[dreg:$0x1] =	wrdreg $0xFFFFFFFF  }
0xbc: {  	[dreg:$0x0] =	wrdreg $0x60  }
0xbd: {  	[dreg:$0x2] =	wrdreg s24  }
0xbe: {  	[dreg:$0x3] =	wrdreg s18  }
0xbf: {  	[dreg:$0x4] =	wrdreg $0xA  }
0xc0: {  	_ =	task.clear_ibuf [dreg:s22], $0x5FFFF;
	_ =	strace $0x90000049  }
0xc1: {  	s29 =	simm.s32 $0xA;
	_ =	strace $0x8000004B  }
0xc2: {  	_ =	swait.ge [sflag:s29], $0x1  }
0xc3: {  	[sflag:s29] =	ssyncadd.s32 $0xFFFFFFFF  }
0xc4: {  	_ =	strace $0x9000004B  }
0xc5: {  	_ =	sfence  }
0xc6: {  	s30 =	sld [smem:$0x0];
	_ =	sdelay $0x2  }
0xc7: {  	s31 =	sshll.u32 s1, $0xD;
	s1 =	sshrl.u32 s1, $0x2  }
0xc8: {  	s4 =	sand.u32 $0x4000, s31;
	s1 =	sadd.s32 s1, s30  }
0xc9: {  	s0 =	sor.u32 s4, s0;
	s1 =	sshll.u32 s1, $0x11  }
0xca: {  	s0 =	sor.u32 s1, s0  }
0xcb: {  	s0 =	sadd.s32 $0x8F2B, s0  }
0xcc: {  	[sflag:s0] =	ssyncadd.remote.s32 $0x1  }
0xcd: {  	_ =	sfence.sel $0xFFFF  }
0xce: {  	[dreg:$0x0] =	wrdreg $0xFFFFFFFF;
	(pc) =	sbr.abs _section_cstart, $3  }
0xcf: {  	[dreg:$0x1] =	wrdreg $0xFFFFFFFF  }
0xd0: {  	_ =	task.clear_ibuf [dreg:s22], $0x2FFFF;
	_ =	strace $0x9FFFFFFF  }
0xd1: {  	(tm) =	ssettm $0x7FFFFFFF  }
tec
execute0_lowered:
.L_overlay_start_1:
0x0: {  	(tag) =	ssettag $0x1  }
0x1: {  	s0 =	rddreg [dreg:$0x0]  }
0x2: {  	s1 =	srdreg.scid;
	s2 =	stileid.u32  }
0x3: {  	s3 =	rddreg [dreg:$0x1];
	s30 =	simm.s32 $0xB;
	s14 =	simm.s32 $0x80  }
0x4: {  	s12 =	simm.s32 $0x400;
	s10 =	simm.s32 $0x4400;
	s31 =	simm.s32 $0x100  }
0x5: {  	s9 =	simm.s32 $0x8400;
	s17 =	simm.s32 $0x1;
	s29 =	simm.s32 $0x180  }
0x6: {  	s16 =	simm.s32 $0x2;
	s28 =	simm.s32 $0x200;
	s15 =	simm.s32 $0x3  }
0x7: {  	s26 =	simm.s32 $0x280;
	s8 =	simm.s32 $0x7;
	p0 =	por $0x0, $0x0  }
0x8: {  	s11 =	simm.s32 $0x8;
	s19 =	simm.s32 $0x9;
	s18 =	simm.s32 $0xA  }
0x9: {  	s1 =	sand.u32 $0x1, s1;
	s4 =	sshll.u32 s2, $0x1;
	s2 =	simm.s32 $0x0  }
0xa: {  	s4 =	sor.u32 s1, s4;
	[smem:$0x7FF] =	sst s2;
	s1 =	ssub.s32 $0x2, s1  }
0xb: {  	s5 =	sshll.u32 s4, $0xE;
	s4 =	sshll.u32 s4, $0x7;
	_ =	strace $0x8000004A  }
0xc: {  	s22 =	sshrl.u32 s1, $0x1;
	s7 =	sadd.s32 s5, s0;
	s4 =	sadd.s32 s3, s4  }
0xd: {  	s3 =	sadd.s32 $0xC5E00, s0;
	s1 =	ssub.s32 s1, s22;
	s22 =	simm.s32 $0x380  }
0xe: {  	[dreg:$0x3] =	wrdreg s4;
	s20 =	sadd.s32 $0x105E00, s7;
	s21 =	sadd.s32 $0x106600, s7  }
0xf: {  	s23 =	sadd.s32 $0x106E00, s7;
	s24 =	sadd.s32 $0x107600, s7;
	s25 =	smax.u32 s1, $0x1  }
0x10: {  	s13 =	sadd.s32 $0x107E00, s7;
	[dreg:$0x4] =	wrdreg s20;
	p1 =	sne.s32 s25, $0x1  }
.Ltmp0:
0x11: {  	s6 =	sadd.s32 $0x108600, s7;
	[dreg:$0x5] =	wrdreg s21;
	(pc) =	sbr.rel @!p1 .LBB2_3-.Ltmp0, $4  }
0x12: {  	s5 =	sadd.s32 $0x108E00, s7;
	s4 =	sadd.s32 $0x109600, s7;
	[dreg:$0x6] =	wrdreg s23  }
0x13: {  	s7 =	simm.s32 $0x6;
	[dreg:$0x7] =	wrdreg s24;
	s21 =	simm.s32 $0xC400  }
0x14: {  	s20 =	simm.s32 $0x10400;
	s24 =	simm.s32 $0x4;
	s1 =	sadd.s32 $0xFFFFFFFF, s25  }
0x15: {  	s25 =	simm.s32 $0x300;
	s23 =	simm.s32 $0x5;
	s0 =	rddreg [dreg:$0x3]  }
0x16: {  	[tilespmem:s2], [sflag:$0xB] =	stream.linear.gather [hbm4b:s0+s2], $0x400, $0x38;
	[tilespmem:$0x14400] =	vst v63  }
0x17: {  	_ =	swait.ge [sflag:s30], $0x400  }
0x18: {  	[sflag:s30] =	ssyncset.done $0x0  }
0x19: {  	[sflag:s30] =	ssyncadd.s32 $0xFFFFFC00  }
0x1a: {  	[tilespmem:s12], [sflag:$0x1] =	stream.indirect.gather [hbm4b:s3+s14], $0x80, s2, s14, $0xb8;
	[tilespmem:$0x14400] =	vst v63  }
0x1b: {  	_ = 	snop  }
0x1c: {  	[tilespmem:s10], [sflag:$0x2] =	stream.indirect.gather [hbm4b:s3+s14], $0x80, s14, s14, $0xb8;
	[tilespmem:$0x14400] =	vst v63  }
0x1d: {  	_ = 	snop  }
0x1e: {  	[tilespmem:s9], [sflag:$0x3] =	stream.indirect.gather [hbm4b:s3+s14], $0x80, s31, s14, $0xb8;
	[tilespmem:$0x14400] =	vst v63  }
0x1f: {  	_ =	swait.ge [sflag:s17], $0x4000  }
0x20: {  	[sflag:s17] =	ssyncset.done $0x0  }
0x21: {  	s0 =	rddreg [dreg:$0x4];
	[sflag:s17] =	ssyncadd.s32 $0xFFFFC000  }
0x22: {  	[hbm4b:s0+s2] =	stream.linear.scatter [tilespmem:s12], [sflag:$0x6], $0x4000, $0x38;
	[tilespmem:$0x14400] =	vst v63  }
0x23: {  	_ = 	snop  }
0x24: {  	[tilespmem:s21], [sflag:$0x4] =	stream.indirect.gather [hbm4b:s3+s14], $0x80, s29, s14, $0xb8;
	[tilespmem:$0x14400] =	vst v63  }
0x25: {  	_ =	swait.ge [sflag:s16], $0x4000  }
0x26: {  	[sflag:s16] =	ssyncset.done $0x0  }
0x27: {  	s0 =	rddreg [dreg:$0x5];
	[sflag:s16] =	ssyncadd.s32 $0xFFFFC000  }
0x28: {  	[hbm4b:s0+s2] =	stream.linear.scatter [tilespmem:s10], [sflag:$0x7], $0x4000, $0x38;
	[tilespmem:$0x14400] =	vst v63  }
0x29: {  	_ = 	snop  }
0x2a: {  	[tilespmem:s20], [sflag:$0x5] =	stream.indirect.gather [hbm4b:s3+s14], $0x80, s28, s14, $0xb8;
	[tilespmem:$0x14400] =	vst v63  }
0x2b: {  	_ =	swait.ge [sflag:s15], $0x4000  }
0x2c: {  	[sflag:s15] =	ssyncset.done $0x0  }
0x2d: {  	s0 =	rddreg [dreg:$0x6];
	[sflag:s15] =	ssyncadd.s32 $0xFFFFC000  }
0x2e: {  	[hbm4b:s0+s2] =	stream.linear.scatter [tilespmem:s9], [sflag:$0x8], $0x4000, $0x38;
	[tilespmem:$0x14400] =	vst v63  }
0x2f: {  	_ =	swait.ge [sflag:s7], $0x4000  }
0x30: {  	[sflag:s7] =	ssyncset.done $0x0  }
0x31: {  	[sflag:s7] =	ssyncadd.s32 $0xFFFFC000  }
0x32: {  	[tilespmem:s12], [sflag:$0x1] =	stream.indirect.gather [hbm4b:s3+s14], $0x80, s26, s14, $0xb8;
	[tilespmem:$0x14400] =	vst v63  }
0x33: {  	_ =	swait.ge [sflag:s24], $0x4000  }
0x34: {  	[sflag:s24] =	ssyncset.done $0x0  }
0x35: {  	s0 =	rddreg [dreg:$0x7];
	[sflag:s24] =	ssyncadd.s32 $0xFFFFC000  }
0x36: {  	[hbm4b:s0+s2] =	stream.linear.scatter [tilespmem:s21], [sflag:$0x9], $0x4000, $0x38;
	[tilespmem:$0x14400] =	vst v63  }
0x37: {  	_ =	swait.ge [sflag:s8], $0x4000  }
0x38: {  	[sflag:s8] =	ssyncset.done $0x0  }
0x39: {  	[sflag:s8] =	ssyncadd.s32 $0xFFFFC000  }
0x3a: {  	[tilespmem:s10], [sflag:$0x2] =	stream.indirect.gather [hbm4b:s3+s14], $0x80, s25, s14, $0xb8;
	[tilespmem:$0x14400] =	vst v63  }
0x3b: {  	_ =	swait.ge [sflag:s23], $0x4000  }
0x3c: {  	[sflag:s23] =	ssyncset.done $0x0  }
0x3d: {  	[sflag:s23] =	ssyncadd.s32 $0xFFFFC000  }
0x3e: {  	[hbm4b:s13+s2] =	stream.linear.scatter [tilespmem:s20], [sflag:$0xA], $0x4000, $0x38;
	[tilespmem:$0x14400] =	vst v63  }
0x3f: {  	_ =	swait.ge [sflag:s11], $0x4000  }
0x40: {  	[sflag:s11] =	ssyncset.done $0x0  }
0x41: {  	[sflag:s11] =	ssyncadd.s32 $0xFFFFC000  }
0x42: {  	[tilespmem:s9], [sflag:$0x3] =	stream.indirect.gather [hbm4b:s3+s14], $0x80, s22, s14, $0xb8;
	[tilespmem:$0x14400] =	vst v63  }
0x43: {  	_ =	swait.ge [sflag:s17], $0x4000  }
0x44: {  	[sflag:s17] =	ssyncset.done $0x0  }
0x45: {  	[sflag:s17] =	ssyncadd.s32 $0xFFFFC000  }
0x46: {  	[hbm4b:s6+s2] =	stream.linear.scatter [tilespmem:s12], [sflag:$0x6], $0x4000, $0x38;
	[tilespmem:$0x14400] =	vst v63  }
0x47: {  	_ =	swait.ge [sflag:s16], $0x4000  }
0x48: {  	[sflag:s16] =	ssyncset.done $0x0  }
0x49: {  	[sflag:s16] =	ssyncadd.s32 $0xFFFFC000  }
0x4a: {  	[hbm4b:s5+s2] =	stream.linear.scatter [tilespmem:s10], [sflag:$0x7], $0x4000, $0x38;
	[tilespmem:$0x14400] =	vst v63  }
0x4b: {  	_ =	swait.ge [sflag:s15], $0x4000  }
0x4c: {  	[sflag:s15] =	ssyncset.done $0x0  }
0x4d: {  	[sflag:s15] =	ssyncadd.s32 $0xFFFFC000  }
0x4e: {  	[hbm4b:s4+s2] =	stream.linear.scatter [tilespmem:s9], [sflag:$0x8], $0x4000, $0x38;
	[tilespmem:$0x14400] =	vst v63  }
0x4f: {  	_ =	swait.ge [sflag:s19], $0x4000  }
0x50: {  	[sflag:s19] =	ssyncset.done $0x0  }
0x51: {  	[sflag:s19] =	ssyncadd.s32 $0xFFFFC000  }
0x52: {  	_ =	swait.ge [sflag:s18], $0x4000  }
0x53: {  	[sflag:s18] =	ssyncset.done $0x0  }
0x54: {  	[sflag:s18] =	ssyncadd.s32 $0xFFFFC000  }
0x55: {  	_ =	swait.ge [sflag:s7], $0x4000  }
0x56: {  	[sflag:s7] =	ssyncset.done $0x0  }
0x57: {  	p1 =	sne.s32 s1, $0x1;
	[sflag:s7] =	ssyncadd.s32 $0xFFFFC000  }
.Ltmp1:
0x58: {  	_ =	swait.ge [sflag:s8], $0x4000;
	(pc) =	sbr.rel @!p1 .LBB2_3-.Ltmp1, $4  }
0x59: {  	[sflag:s8] =	ssyncset.done $0x0  }
0x5a: {  	[sflag:s8] =	ssyncadd.s32 $0xFFFFC000  }
0x5b: {  	s1 =	sadd.s32 $0xFFFFFFFF, s1;
	_ =	swait.ge [sflag:s11], $0x4000  }
0x5c: {  	p0 =	por $0x1, $0x1;
	s0 =	rddreg [dreg:$0x3];
	[sflag:s11] =	ssyncset.done $0x0  }
.LBB2_2:
0x5d: {  	[sflag:s11] =	ssyncadd.s32 $0xFFFFC000  }
0x5e: {  	[tilespmem:s2], [sflag:$0xB] =	stream.linear.gather [hbm4b:s0+s2], $0x400, $0x38;
	[tilespmem:$0x14400] =	vst v63  }
0x5f: {  	_ =	swait.ge [sflag:s30], $0x400  }
0x60: {  	[sflag:s30] =	ssyncset.done $0x0  }
0x61: {  	[sflag:s30] =	ssyncadd.s32 $0xFFFFFC00  }
0x62: {  	[tilespmem:s12], [sflag:$0x1] =	stream.indirect.gather [hbm4b:s3+s14], $0x80, s2, s14, $0xb8;
	[tilespmem:$0x14400] =	vst v63  }
0x63: {  	_ = 	snop  }
0x64: {  	[tilespmem:s10], [sflag:$0x2] =	stream.indirect.gather [hbm4b:s3+s14], $0x80, s14, s14, $0xb8;
	[tilespmem:$0x14400] =	vst v63  }
0x65: {  	_ = 	snop  }
0x66: {  	[tilespmem:s9], [sflag:$0x3] =	stream.indirect.gather [hbm4b:s3+s14], $0x80, s31, s14, $0xb8;
	[tilespmem:$0x14400] =	vst v63  }
0x67: {  	_ =	swait.ge [sflag:s17], $0x4000  }
0x68: {  	[sflag:s17] =	ssyncset.done $0x0  }
0x69: {  	s0 =	rddreg [dreg:$0x4];
	[sflag:s17] =	ssyncadd.s32 $0xFFFFC000  }
0x6a: {  	[hbm4b:s0+s2] =	stream.linear.scatter [tilespmem:s12], [sflag:$0x6], $0x4000, $0x38;
	[tilespmem:$0x14400] =	vst v63  }
0x6b: {  	_ = 	snop  }
0x6c: {  	[tilespmem:s21], [sflag:$0x4] =	stream.indirect.gather [hbm4b:s3+s14], $0x80, s29, s14, $0xb8;
	[tilespmem:$0x14400] =	vst v63  }
0x6d: {  	_ =	swait.ge [sflag:s16], $0x4000  }
0x6e: {  	[sflag:s16] =	ssyncset.done $0x0  }
0x6f: {  	s0 =	rddreg [dreg:$0x5];
	[sflag:s16] =	ssyncadd.s32 $0xFFFFC000  }
0x70: {  	[hbm4b:s0+s2] =	stream.linear.scatter [tilespmem:s10], [sflag:$0x7], $0x4000, $0x38;
	[tilespmem:$0x14400] =	vst v63  }
0x71: {  	_ = 	snop  }
0x72: {  	[tilespmem:s20], [sflag:$0x5] =	stream.indirect.gather [hbm4b:s3+s14], $0x80, s28, s14, $0xb8;
	[tilespmem:$0x14400] =	vst v63  }
0x73: {  	_ =	swait.ge [sflag:s15], $0x4000  }
0x74: {  	[sflag:s15] =	ssyncset.done $0x0  }
0x75: {  	s0 =	rddreg [dreg:$0x6];
	[sflag:s15] =	ssyncadd.s32 $0xFFFFC000  }
0x76: {  	[hbm4b:s0+s2] =	stream.linear.scatter [tilespmem:s9], [sflag:$0x8], $0x4000, $0x38;
	[tilespmem:$0x14400] =	vst v63  }
0x77: {  	_ =	swait.ge [sflag:s7], $0x4000  }
0x78: {  	[sflag:s7] =	ssyncset.done $0x0  }
0x79: {  	[sflag:s7] =	ssyncadd.s32 $0xFFFFC000  }
0x7a: {  	[tilespmem:s12], [sflag:$0x1] =	stream.indirect.gather [hbm4b:s3+s14], $0x80, s26, s14, $0xb8;
	[tilespmem:$0x14400] =	vst v63  }
0x7b: {  	_ =	swait.ge [sflag:s24], $0x4000  }
0x7c: {  	[sflag:s24] =	ssyncset.done $0x0  }
0x7d: {  	s0 =	rddreg [dreg:$0x7];
	[sflag:s24] =	ssyncadd.s32 $0xFFFFC000  }
0x7e: {  	[hbm4b:s0+s2] =	stream.linear.scatter [tilespmem:s21], [sflag:$0x9], $0x4000, $0x38;
	[tilespmem:$0x14400] =	vst v63  }
0x7f: {  	_ =	swait.ge [sflag:s8], $0x4000  }
0x80: {  	[sflag:s8] =	ssyncset.done $0x0  }
0x81: {  	[sflag:s8] =	ssyncadd.s32 $0xFFFFC000  }
0x82: {  	[tilespmem:s10], [sflag:$0x2] =	stream.indirect.gather [hbm4b:s3+s14], $0x80, s25, s14, $0xb8;
	[tilespmem:$0x14400] =	vst v63  }
0x83: {  	_ =	swait.ge [sflag:s23], $0x4000  }
0x84: {  	[sflag:s23] =	ssyncset.done $0x0  }
0x85: {  	[sflag:s23] =	ssyncadd.s32 $0xFFFFC000  }
0x86: {  	[hbm4b:s13+s2] =	stream.linear.scatter [tilespmem:s20], [sflag:$0xA], $0x4000, $0x38;
	[tilespmem:$0x14400] =	vst v63  }
0x87: {  	_ =	swait.ge [sflag:s11], $0x4000  }
0x88: {  	[sflag:s11] =	ssyncset.done $0x0  }
0x89: {  	[sflag:s11] =	ssyncadd.s32 $0xFFFFC000  }
0x8a: {  	[tilespmem:s9], [sflag:$0x3] =	stream.indirect.gather [hbm4b:s3+s14], $0x80, s22, s14, $0xb8;
	[tilespmem:$0x14400] =	vst v63  }
0x8b: {  	_ =	swait.ge [sflag:s17], $0x4000  }
0x8c: {  	[sflag:s17] =	ssyncset.done $0x0  }
0x8d: {  	[sflag:s17] =	ssyncadd.s32 $0xFFFFC000  }
0x8e: {  	[hbm4b:s6+s2] =	stream.linear.scatter [tilespmem:s12], [sflag:$0x6], $0x4000, $0x38;
	[tilespmem:$0x14400] =	vst v63  }
0x8f: {  	_ =	swait.ge [sflag:s16], $0x4000  }
0x90: {  	[sflag:s16] =	ssyncset.done $0x0  }
0x91: {  	[sflag:s16] =	ssyncadd.s32 $0xFFFFC000  }
0x92: {  	[hbm4b:s5+s2] =	stream.linear.scatter [tilespmem:s10], [sflag:$0x7], $0x4000, $0x38;
	[tilespmem:$0x14400] =	vst v63  }
0x93: {  	_ =	swait.ge [sflag:s15], $0x4000  }
0x94: {  	[sflag:s15] =	ssyncset.done $0x0  }
0x95: {  	[sflag:s15] =	ssyncadd.s32 $0xFFFFC000  }
0x96: {  	[hbm4b:s4+s2] =	stream.linear.scatter [tilespmem:s9], [sflag:$0x8], $0x4000, $0x38;
	[tilespmem:$0x14400] =	vst v63  }
0x97: {  	_ =	swait.ge [sflag:s19], $0x4000  }
0x98: {  	[sflag:s19] =	ssyncset.done $0x0  }
0x99: {  	[sflag:s19] =	ssyncadd.s32 $0xFFFFC000  }
0x9a: {  	_ =	swait.ge [sflag:s18], $0x4000  }
0x9b: {  	[sflag:s18] =	ssyncset.done $0x0  }
0x9c: {  	[sflag:s18] =	ssyncadd.s32 $0xFFFFC000  }
0x9d: {  	_ =	swait.ge [sflag:s7], $0x4000  }
0x9e: {  	[sflag:s7] =	ssyncset.done $0x0  }
0x9f: {  	p1 =	sne.s32 s1, $0x1;
	[sflag:s7] =	ssyncadd.s32 $0xFFFFC000  }
.Ltmp2:
0xa0: {  	_ =	swait.ge [sflag:s8], $0x4000;
	(pc) =	sbr.rel @p1 .LBB2_2-.Ltmp2, $4  }
0xa1: {  	[sflag:s8] =	ssyncset.done $0x0  }
0xa2: {  	[sflag:s8] =	ssyncadd.s32 $0xFFFFC000  }
0xa3: {  	_ =	swait.ge [sflag:s11], $0x4000  }
0xa4: {  	s1 =	sadd.s32 $0xFFFFFFFF, s1;
	s0 =	rddreg [dreg:$0x3];
	[sflag:s11] =	ssyncset.done $0x0  }
.LBB2_3:
0xa5: {  	[sflag:s11] =	ssyncadd.s32 @p0 $0xFFFFC000  }
0xa6: {  	[tilespmem:s2], [sflag:$0xB] =	stream.linear.gather [hbm4b:s0+s2], $0x400, $0x38;
	[tilespmem:$0x14400] =	vst v63  }
0xa7: {  	_ =	swait.ge [sflag:s30], $0x400  }
0xa8: {  	[sflag:s30] =	ssyncset.done $0x0  }
0xa9: {  	[sflag:s30] =	ssyncadd.s32 $0xFFFFFC00  }
0xaa: {  	[tilespmem:s12], [sflag:$0x1] =	stream.indirect.gather [hbm4b:s3+s14], $0x80, s2, s14, $0xb8;
	[tilespmem:$0x14400] =	vst v63  }
0xab: {  	_ = 	snop  }
0xac: {  	[tilespmem:s10], [sflag:$0x2] =	stream.indirect.gather [hbm4b:s3+s14], $0x80, s14, s14, $0xb8;
	[tilespmem:$0x14400] =	vst v63  }
0xad: {  	_ = 	snop  }
0xae: {  	[tilespmem:s9], [sflag:$0x3] =	stream.indirect.gather [hbm4b:s3+s14], $0x80, s31, s14, $0xb8;
	[tilespmem:$0x14400] =	vst v63  }
0xaf: {  	_ =	swait.ge [sflag:s17], $0x4000  }
0xb0: {  	[sflag:s17] =	ssyncset.done $0x0  }
0xb1: {  	s31 =	rddreg [dreg:$0x4];
	[sflag:s17] =	ssyncadd.s32 $0xFFFFC000  }
0xb2: {  	[hbm4b:s31+s2] =	stream.linear.scatter [tilespmem:s12], [sflag:$0x6], $0x4000, $0x38;
	[tilespmem:$0x14400] =	vst v63  }
0xb3: {  	_ = 	snop  }
0xb4: {  	[tilespmem:s21], [sflag:$0x4] =	stream.indirect.gather [hbm4b:s3+s14], $0x80, s29, s14, $0xb8;
	[tilespmem:$0x14400] =	vst v63  }
0xb5: {  	_ =	swait.ge [sflag:s16], $0x4000  }
0xb6: {  	[sflag:s16] =	ssyncset.done $0x0  }
0xb7: {  	s1 =	rddreg [dreg:$0x5];
	[sflag:s16] =	ssyncadd.s32 $0xFFFFC000  }
0xb8: {  	[hbm4b:s1+s2] =	stream.linear.scatter [tilespmem:s10], [sflag:$0x7], $0x4000, $0x38;
	[tilespmem:$0x14400] =	vst v63  }
0xb9: {  	_ = 	snop  }
0xba: {  	[tilespmem:s20], [sflag:$0x5] =	stream.indirect.gather [hbm4b:s3+s14], $0x80, s28, s14, $0xb8;
	[tilespmem:$0x14400] =	vst v63  }
0xbb: {  	_ =	swait.ge [sflag:s15], $0x4000  }
0xbc: {  	[sflag:s15] =	ssyncset.done $0x0  }
0xbd: {  	s29 =	rddreg [dreg:$0x6];
	[sflag:s15] =	ssyncadd.s32 $0xFFFFC000  }
0xbe: {  	[hbm4b:s29+s2] =	stream.linear.scatter [tilespmem:s9], [sflag:$0x8], $0x4000, $0x38;
	[tilespmem:$0x14400] =	vst v63  }
0xbf: {  	_ =	swait.ge [sflag:s7], $0x4000  }
0xc0: {  	[sflag:s7] =	ssyncset.done $0x0  }
0xc1: {  	[sflag:s7] =	ssyncadd.s32 $0xFFFFC000  }
0xc2: {  	[tilespmem:s12], [sflag:$0x1] =	stream.indirect.gather [hbm4b:s3+s14], $0x80, s26, s14, $0xb8;
	[tilespmem:$0x14400] =	vst v63  }
0xc3: {  	_ =	swait.ge [sflag:s24], $0x4000  }
0xc4: {  	[sflag:s24] =	ssyncset.done $0x0  }
0xc5: {  	s30 =	rddreg [dreg:$0x7];
	[sflag:s24] =	ssyncadd.s32 $0xFFFFC000  }
0xc6: {  	[hbm4b:s30+s2] =	stream.linear.scatter [tilespmem:s21], [sflag:$0x9], $0x4000, $0x38;
	[tilespmem:$0x14400] =	vst v63  }
0xc7: {  	_ =	swait.ge [sflag:s8], $0x4000  }
0xc8: {  	[sflag:s8] =	ssyncset.done $0x0  }
0xc9: {  	[sflag:s8] =	ssyncadd.s32 $0xFFFFC000  }
0xca: {  	[tilespmem:s10], [sflag:$0x2] =	stream.indirect.gather [hbm4b:s3+s14], $0x80, s25, s14, $0xb8;
	[tilespmem:$0x14400] =	vst v63  }
0xcb: {  	_ =	swait.ge [sflag:s23], $0x4000  }
0xcc: {  	[sflag:s23] =	ssyncset.done $0x0  }
0xcd: {  	[sflag:s23] =	ssyncadd.s32 $0xFFFFC000  }
0xce: {  	[hbm4b:s13+s2] =	stream.linear.scatter [tilespmem:s20], [sflag:$0xA], $0x4000, $0x38;
	[tilespmem:$0x14400] =	vst v63  }
0xcf: {  	_ =	swait.ge [sflag:s11], $0x4000  }
0xd0: {  	[sflag:s11] =	ssyncset.done $0x0  }
0xd1: {  	[sflag:s11] =	ssyncadd.s32 $0xFFFFC000  }
0xd2: {  	[tilespmem:s9], [sflag:$0x3] =	stream.indirect.gather [hbm4b:s3+s14], $0x80, s22, s14, $0xb8;
	[tilespmem:$0x14400] =	vst v63  }
0xd3: {  	_ =	swait.ge [sflag:s17], $0x4000  }
0xd4: {  	[sflag:s17] =	ssyncset.done $0x0  }
0xd5: {  	[sflag:s17] =	ssyncadd.s32 $0xFFFFC000  }
0xd6: {  	[hbm4b:s6+s2] =	stream.linear.scatter [tilespmem:s12], [sflag:$0x6], $0x4000, $0x38;
	[tilespmem:$0x14400] =	vst v63  }
0xd7: {  	_ =	swait.ge [sflag:s16], $0x4000  }
0xd8: {  	[sflag:s16] =	ssyncset.done $0x0  }
0xd9: {  	[sflag:s16] =	ssyncadd.s32 $0xFFFFC000  }
0xda: {  	[hbm4b:s5+s2] =	stream.linear.scatter [tilespmem:s10], [sflag:$0x7], $0x4000, $0x38;
	[tilespmem:$0x14400] =	vst v63  }
0xdb: {  	_ =	swait.ge [sflag:s15], $0x4000  }
0xdc: {  	[sflag:s15] =	ssyncset.done $0x0  }
0xdd: {  	[sflag:s15] =	ssyncadd.s32 $0xFFFFC000  }
0xde: {  	[hbm4b:s4+s2] =	stream.linear.scatter [tilespmem:s9], [sflag:$0x8], $0x4000, $0x38;
	[tilespmem:$0x14400] =	vst v63  }
0xdf: {  	_ =	swait.ge [sflag:s19], $0x4000  }
0xe0: {  	[sflag:s19] =	ssyncset.done $0x0  }
0xe1: {  	[sflag:s19] =	ssyncadd.s32 $0xFFFFC000  }
0xe2: {  	_ =	swait.ge [sflag:s18], $0x4000  }
0xe3: {  	[sflag:s18] =	ssyncset.done $0x0  }
0xe4: {  	[sflag:s18] =	ssyncadd.s32 $0xFFFFC000  }
0xe5: {  	_ =	swait.ge [sflag:s7], $0x4000  }
0xe6: {  	[sflag:s7] =	ssyncset.done $0x0  }
0xe7: {  	[sflag:s7] =	ssyncadd.s32 $0xFFFFC000  }
0xe8: {  	_ =	swait.ge [sflag:s8], $0x4000  }
0xe9: {  	[sflag:s8] =	ssyncset.done $0x0  }
0xea: {  	[sflag:s8] =	ssyncadd.s32 $0xFFFFC000  }
0xeb: {  	_ =	swait.ge [sflag:s11], $0x4000  }
0xec: {  	[sflag:s11] =	ssyncset.done $0x0  }
0xed: {  	[sflag:s11] =	ssyncadd.s32 $0xFFFFC000  }
0xee: {  	_ =	sfence.sel $0x180000  }
0xef: {  	[bflag:$0x0] =	sbarrier.arrive $0xFFFF  }
0xf0: {  	_ =	strace $0x9000004A  }
0xf1: {  	s31 =	stileid.u32;
	[bflag:$0x2] =	sbarrier.arrive $0xFFFF  }
0xf2: {  	p0 =	sne.s32 s31, $0x0;
	s0 =	rddreg [dreg:$0x2]  }
0xf3: {  	s0 =	sadd.s32 @!p0 $0x100000, s0  }
0xf4: {  	[sflag:s0] =	ssyncadd.tile.s32 @!p0 $0x1;
	_ =	shalt  }
.Lfunc_end2:
_tile_overlayer_lowered:
.L_overlay_start_2:
0xf5: {  	(tag) =	ssettag $0x2  }
0xf6: {  	s0 =	rddreg [dreg:$0x0];
	s2 =	stileid.u32  }
0xf7: {  	s1 =	rddreg [dreg:$0x1];
	p0 =	sne.s32 s2, $0x0  }
0xf8: {  	s3 =	rddreg [dreg:$0x2];
	[bflag:$0x3] =	sbarrier.arrive $0xFFFF;
	s2 =	simm.s32 @!p0 $0x1C0B  }
0xf9: {  	[timem:s3], [sflag:s2] =	dma.local @!p0 [hbm:s0], s1  }
0xfa: {  	s0 =	simm.s32 @!p0 $0xB  }
0xfb: {  	_ =	swait.ge @!p0 [sflag:s0], s1  }
0xfc: {  	s1 =	ssub.s32 @!p0 $0x0, s1;
	[sflag:s0] =	ssyncset.done @!p0 $0x0  }
0xfd: {  	[sflag:s0] =	ssyncadd.s32 @!p0 s1  }
0xfe: {  	[bflag:$0x3] =	sbarrier.arrive $0xFFFF  }
0xff: {  	_ =	shalt  }

// kernel: kernel.9.cloned.1.call-start
scs
__scs_entry_jumppad:
0x0: {  	(pc) =	sbr.rel $0x88, $3  }
0x1: {  	(tag) =	ssettag $0x0;
	lr =	simm.s32 $0x1  }
0x2: {  	[smem:$0x3F88] =	sst lr;
	_ =	strace $0xD0000000  }
0x3: {  	_ = 	snop  }
0x4: {  	_ = 	snop  }
0x5: {  	_ = 	snop  }
0x6: {  	_ = 	snop  }
0x7: {  	_ = 	snop  }
__scs_overlays_trampoline_lowered:
0x8: {  	[smem:$0x3F97] =	sst s0  }
0x9: {  	[smem:$0x3F98] =	sst s1  }
0xa: {  	[smem:$0x3F99] =	sst s2  }
0xb: {  	[smem:$0x3F9A] =	sst s3  }
0xc: {  	[smem:$0x3F9B] =	sst s4  }
0xd: {  	[smem:$0x3F9C] =	sst s5  }
0xe: {  	[smem:$0x3F9D] =	sst s6  }
0xf: {  	[smem:$0x3F9E] =	sst s7  }
0x10: {  	[smem:$0x3F9F] =	sst s8  }
0x11: {  	[smem:$0x3FA0] =	sst s9;
	s0 =	simm.s32 @!p0 $0x0  }
0x12: {  	s1 =	sld [smem:$0x3F86];
	s0 =	simm.s32 @p0 $0x1  }
0x13: {  	[smem:$0x3FA1] =	sst s0;
	s0 =	simm.s32 @!p1 $0x0  }
0x14: {  	s2 =	sld [smem:$0x3F85];
	s0 =	simm.s32 @p1 $0x1  }
0x15: {  	[smem:$0x3FA2] =	sst s0;
	s0 =	simm.s32 @!p2 $0x0  }
0x16: {  	s3 =	sld [smem:$0x3FDB];
	s0 =	simm.s32 @p2 $0x1  }
0x17: {  	s4 =	simm.s32 $0x1BF5;
	[smem:$0x3FA4] =	sst s0  }
0x18: {  	s0 =	sld [smem:$0x3F87];
	_ =	swait.ge [sflag:s4], $0x0  }
0x19: {  	s7 =	sld [smem:$0x3F88]  }
0x1a: {  	s8 =	sadd.s32 $0xFFFFE003, lr  }
0x1b: {  	s9 =	sadd.s32 $0xFFFFFEF7, lr;
	s5 =	simm.s32 $0xFFFFFFFF;
	p2 =	slt.u32 s8, $0xFFFFF086  }
0x1c: {  	p1 =	slt.u32 s9, $0xF7A;
	s5 =	simm.s32 @!p2 $0x0  }
0x1d: {  	s5 =	simm.s32 @p1 $0x1;
	p0 =	seq.s32 s7, s2  }
0x1e: {  	s7 =	smul.u32 @!p0 $0xF7A, s2;
	p2 =	seq.s32 @!p0 s5, $0x0  }
0x1f: {  	s9 =	smul.u32 $0xF7A, s1;
	s8 =	simm.s32 @!p0 $0x1BF5;
	p2 =	por !p2, p0  }
0x20: {  	[sflag:s8] =	ssyncset.s32 @!p0 $0xFFFFF086;
	s6 =	sadd.s32 @!p0 s3, s7;
	s7 =	simm.s32 @!p0 $0x108  }
0x21: {  	s3 =	sadd.s32 s3, s9;
	s6 =	sadd.s32 @!p0 $0x88, s6;
	s7 =	simm.s32 @p2 $0x1082  }
0x22: {  	[simem:s7], [sflag:s8] =	dma.local @!p0 [hbm:s6], $0xF7A  }
0x23: {  	s9 =	sor.u32 $0xD0000000, s2;
	s6 =	simm.s32 $0x108;
	_ =	swait.ge @!p0 [sflag:s8], $0x0  }
0x24: {  	s3 =	sadd.s32 $0x88, s3;
	s6 =	simm.s32 @!p1 $0x1082;
	[sflag:s4] =	ssyncset.s32 $0xFFFFF086  }
0x25: {  	[simem:s6], [sflag:s4] =	dma.local [hbm:s3], $0xF7A  }
0x26: {  	[smem:$0x3F88] =	sst s1;
	(tag) =	ssettag s2;
	_ =	strace s9  }
0x27: {  	s1 =	sld [smem:$0x3F98]  }
0x28: {  	s2 =	sld [smem:$0x3F99]  }
0x29: {  	s4 =	sld [smem:$0x3F9B]  }
0x2a: {  	p0 =	seq.s32 s5, $0x0;
	s5 =	sld [smem:$0x3F9C]  }
0x2b: {  	s6 =	sld [smem:$0x3F9D]  }
0x2c: {  	s7 =	sld [smem:$0x3F9E]  }
0x2d: {  	s3 =	simm.s32 $0x108;
	s8 =	sld [smem:$0x3F9F]  }
0x2e: {  	s3 =	simm.s32 @!p0 $0x1082;
	s9 =	sld [smem:$0x3FA0]  }
0x2f: {  	lr =	sadd.s32 s0, s3;
	s0 =	sld [smem:$0x3F97]  }
0x30: {  	s3 =	sld [smem:$0x3F9A]  }
0x31: {  	[smem:$0x3FA3] =	sst s10  }
0x32: {  	s10 =	sld [smem:$0x3FA1];
	_ =	sdelay $0x3  }
0x33: {  	p0 =	seq.s32 s10, $0x1;
	s10 =	sld [smem:$0x3FA3];
	_ =	sdelay $0x3  }
0x34: {  	[smem:$0x3FA3] =	sst s10  }
0x35: {  	s10 =	sld [smem:$0x3FA2];
	_ =	sdelay $0x3  }
0x36: {  	p1 =	seq.s32 s10, $0x1;
	s10 =	sld [smem:$0x3FA3];
	_ =	sdelay $0x3  }
0x37: {  	[smem:$0x3FA3] =	sst s10  }
0x38: {  	s10 =	sld [smem:$0x3FA4]  }
0x39: {  	_ = 	snop;
	(pc) =	sbr.ind lr, $3  }
0x3a: {  	_ = 	snop  }
0x3b: {  	_ = 	snop  }
0x3c: {  	p2 =	seq.s32 s10, $0x1;
	s10 =	sld [smem:$0x3FA3]  }
0x3d: {  	_ =	shalt  }
0x3e: {  	_ =	shalt  }
0x3f: {  	_ =	shalt  }
0x40: {  	_ =	shalt  }
0x41: {  	_ =	shalt  }
0x42: {  	_ =	shalt  }
0x43: {  	_ =	shalt  }
0x44: {  	_ =	shalt  }
0x45: {  	_ =	shalt  }
0x46: {  	_ =	shalt  }
0x47: {  	_ =	shalt  }
0x48: {  	_ =	shalt  }
0x49: {  	_ =	shalt  }
0x4a: {  	_ =	shalt  }
0x4b: {  	_ =	shalt  }
0x4c: {  	_ =	shalt  }
0x4d: {  	_ =	shalt  }
0x4e: {  	_ =	shalt  }
0x4f: {  	_ =	shalt  }
0x50: {  	_ =	shalt  }
0x51: {  	_ =	shalt  }
0x52: {  	_ =	shalt  }
0x53: {  	_ =	shalt  }
0x54: {  	_ =	shalt  }
0x55: {  	_ =	shalt  }
0x56: {  	_ =	shalt  }
0x57: {  	_ =	shalt  }
0x58: {  	_ =	shalt  }
0x59: {  	_ =	shalt  }
0x5a: {  	_ =	shalt  }
0x5b: {  	_ =	shalt  }
0x5c: {  	_ =	shalt  }
0x5d: {  	_ =	shalt  }
0x5e: {  	_ =	shalt  }
0x5f: {  	_ =	shalt  }
0x60: {  	_ =	shalt  }
0x61: {  	_ =	shalt  }
0x62: {  	_ =	shalt  }
0x63: {  	_ =	shalt  }
0x64: {  	_ =	shalt  }
0x65: {  	_ =	shalt  }
0x66: {  	_ =	shalt  }
0x67: {  	_ =	shalt  }
0x68: {  	_ =	shalt  }
0x69: {  	_ =	shalt  }
0x6a: {  	_ =	shalt  }
0x6b: {  	_ =	shalt  }
0x6c: {  	_ =	shalt  }
0x6d: {  	_ =	shalt  }
0x6e: {  	_ =	shalt  }
0x6f: {  	_ =	shalt  }
0x70: {  	_ =	shalt  }
0x71: {  	_ =	shalt  }
0x72: {  	_ =	shalt  }
0x73: {  	_ =	shalt  }
0x74: {  	_ =	shalt  }
0x75: {  	_ =	shalt  }
0x76: {  	_ =	shalt  }
0x77: {  	_ =	shalt  }
0x78: {  	_ =	shalt  }
0x79: {  	_ =	shalt  }
0x7a: {  	_ =	shalt  }
0x7b: {  	_ =	shalt  }
0x7c: {  	_ =	shalt  }
0x7d: {  	_ =	shalt  }
0x7e: {  	_ =	shalt  }
0x7f: {  	_ =	shalt  }
0x80: {  	_ =	shalt  }
0x81: {  	_ =	shalt  }
0x82: {  	_ =	shalt  }
0x83: {  	_ =	shalt  }
0x84: {  	_ =	shalt  }
0x85: {  	_ =	shalt  }
0x86: {  	_ =	shalt  }
0x87: {  	_ =	shalt  }
.Lfunc_end0:
.L_simem_size_0:
called_computation_lowered:
.L_overlay_start_0:
0x88: {  	s2 =	sld [smem:$0x3FD9]  }
0x89: {  	s3 =	sld [smem:$0x3FFE];
	_ =	sdelay $0x1  }
0x8a: {  	s1 =	srdreg.scid  }
0x8b: {  	s0 =	sand.u32 $0x1, s1  }
0x8c: {  	s16 =	sshll.u32 s0, $0xA;
	s2 =	sadd.s32 s3, s2  }
0x8d: {  	s2 =	sadd.s32 s2, s16  }
0x8e: {  	[smem:$0x3FAF] =	sst s2  }
0x8f: {  	_ = 	snop  }
0x90: {  	(tm) =	ssettm $0x1  }
0x91: {  	s17 =	sld [smem:$0x3FFB];
	_ =	sdelay $0x3  }
0x92: {  	_ =	strace s17  }
0x93: {  	s2 =	sld [smem:$0x3FFC];
	_ =	sdelay $0x3  }
0x94: {  	_ =	strace s2  }
0x95: {  	s2 =	sld [smem:$0x3FFD];
	_ =	sdelay $0x3  }
0x96: {  	_ =	strace s2  }
0x97: {  	_ =	strace $0x8FFFFFFF  }
0x98: {  	s18 =	sld [smem:$0x3FDB];
	_ =	sdelay $0x1  }
0x99: {  	s19 =	simm.s32 $_scs_section_size  }
0x9a: {  	s4 =	simm.s32 $_size__tile_overlayer_lowered;
	s5 =	simm.s32 $_tile_overlayer_lowered  }
0x9b: {  	s22 =	simm.s32 $0x1BFF;
	s21 =	sshll.u32 s5, $0x1;
	s2 =	sadd.s32 s19, s18  }
0x9c: {  	s6 =	simm.s32 $0x0;
	s20 =	sshll.u32 s4, $0x1;
	s4 =	sadd.s32 s21, s2  }
0x9d: {  	[timem:s6], [sflag:s22] =	dma.local [hbm:s4], s20  }
0x9e: {  	_ =	swait.ge [sflag:s22], s20  }
0x9f: {  	s3 =	ssub.s32 $0x0, s20;
	[sflag:s22] =	ssyncset.done $0x0  }
0xa0: {  	[sflag:s22] =	ssyncadd.s32 s3;
	_ =	sdelay $0x1  }
0xa1: {  	s23 =	simm.s32 $0x1B8B  }
0xa2: {  	_ =	swait.ge [sflag:s23], $0x1  }
0xa3: {  	[sflag:s23] =	ssyncset.done $0x0  }
0xa4: {  	s25 =	simm.s32 $0x1B8E;
	s24 =	sld [smem:$0x3FFE];
	[sflag:s23] =	ssyncadd.s32 $0xFFFFFFFF  }
0xa5: {  	s26 =	simm.s32 $execute0_lowered;
	[smem:$0x3FD2] =	sst s25  }
0xa6: {  	s4 =	sshll.u32 s26, $0x1;
	_ =	strace $0x80000046;
	[dreg:$0x1] =	wrdreg $0xFFFFFFFF  }
0xa7: {  	s28 =	simm.s32 $_size_execute0_lowered;
	s2 =	sadd.s32 s2, s4;
	[dreg:$0x0] =	wrdreg $0x0  }
0xa8: {  	s4 =	sshll.u32 s28, $0x1;
	[dreg:$0x2] =	wrdreg s2  }
0xa9: {  	[dreg:$0x3] =	wrdreg s4  }
0xaa: {  	[dreg:$0x4] =	wrdreg $0xC0  }
0xab: {  	_ =	task [dreg:s6], $0x5FFFF  }
0xac: {  	[dreg:$0x1] =	wrdreg $0xFFFFFFFF  }
0xad: {  	[dreg:$0x0] =	wrdreg $0x60  }
0xae: {  	[dreg:$0x2] =	wrdreg s24  }
0xaf: {  	[dreg:$0x3] =	wrdreg $0x9  }
0xb0: {  	_ =	task.clear_ibuf [dreg:s6], $0x4FFFF;
	_ =	strace $0x90000046  }
0xb1: {  	s29 =	simm.s32 $0x9;
	_ =	strace $0x80000048  }
0xb2: {  	_ =	swait.ge [sflag:s29], $0x1  }
0xb3: {  	[sflag:s29] =	ssyncadd.s32 $0xFFFFFFFF  }
0xb4: {  	_ =	strace $0x90000048  }
0xb5: {  	_ =	sfence  }
0xb6: {  	s30 =	sld [smem:$0x0];
	_ =	sdelay $0x2  }
0xb7: {  	s31 =	sshll.u32 s1, $0xD;
	s1 =	sshrl.u32 s1, $0x2  }
0xb8: {  	s3 =	sand.u32 $0x4000, s31;
	s1 =	sadd.s32 s1, s30  }
0xb9: {  	s0 =	sor.u32 s3, s0;
	s1 =	sshll.u32 s1, $0x11  }
0xba: {  	s0 =	sor.u32 s1, s0  }
0xbb: {  	s0 =	sadd.s32 $0x8F2B, s0  }
0xbc: {  	[sflag:s0] =	ssyncadd.remote.s32 $0x1  }
0xbd: {  	_ =	sfence.sel $0xFFFF  }
0xbe: {  	[dreg:$0x0] =	wrdreg $0xFFFFFFFF;
	(pc) =	sbr.abs _section_cstart, $3  }
0xbf: {  	[dreg:$0x1] =	wrdreg $0xFFFFFFFF  }
0xc0: {  	_ =	task.clear_ibuf [dreg:s6], $0x2FFFF;
	_ =	strace $0x9FFFFFFF  }
0xc1: {  	(tm) =	ssettm $0x7FFFFFFF  }
tec
execute0_lowered:
.L_overlay_start_1:
0x0: {  	(tag) =	ssettag $0x1  }
0x1: {  	s0 =	srdreg.scid  }
0x2: {  	s1 =	stileid.u32;
	s3 =	rddreg [dreg:$0x0]  }
0x3: {  	s2 =	simm.s32 $0x0;
	s30 =	simm.s32 $0xB;
	s14 =	simm.s32 $0x80  }
0x4: {  	s12 =	simm.s32 $0x400;
	s10 =	simm.s32 $0x4400;
	s31 =	simm.s32 $0x100  }
0x5: {  	s9 =	simm.s32 $0x8400;
	s17 =	simm.s32 $0x1;
	s29 =	simm.s32 $0x180  }
0x6: {  	s21 =	simm.s32 $0xC400;
	s16 =	simm.s32 $0x2;
	s28 =	simm.s32 $0x200  }
0x7: {  	s20 =	simm.s32 $0x10400;
	s15 =	simm.s32 $0x3;
	s7 =	simm.s32 $0x6  }
0x8: {  	s8 =	simm.s32 $0x7;
	p0 =	por $0x0, $0x0;
	s11 =	simm.s32 $0x8  }
0x9: {  	s22 =	simm.s32 $0x380;
	s19 =	simm.s32 $0x9;
	s18 =	simm.s32 $0xA  }
0xa: {  	s0 =	sand.u32 $0x1, s0;
	s1 =	sshll.u32 s1, $0x1;
	[smem:$0x7FF] =	sst s2  }
0xb: {  	s1 =	sor.u32 s0, s1;
	_ =	strace $0x80000047;
	s0 =	ssub.s32 $0x2, s0  }
0xc: {  	s4 =	sshll.u32 s1, $0x7;
	s1 =	sshll.u32 s1, $0xE;
	s5 =	sshrl.u32 s0, $0x1  }
0xd: {  	s4 =	sadd.s32 s4, s3;
	s1 =	sadd.s32 s1, s3;
	s3 =	sadd.s32 $0x4E00, s3  }
0xe: {  	s0 =	ssub.s32 s0, s5;
	s4 =	sadd.s32 $0x44E00, s4;
	s23 =	sadd.s32 $0x45E00, s1  }
0xf: {  	s24 =	sadd.s32 $0x46600, s1;
	s0 =	smax.u32 s0, $0x1;
	[dreg:$0x2] =	wrdreg s4  }
0x10: {  	s25 =	sadd.s32 $0x46E00, s1;
	[dreg:$0x3] =	wrdreg s23;
	p1 =	sne.s32 s0, $0x1  }
.Ltmp0:
0x11: {  	s26 =	sadd.s32 $0x47600, s1;
	[dreg:$0x4] =	wrdreg s24;
	(pc) =	sbr.rel @!p1 .LBB2_3-.Ltmp0, $4  }
0x12: {  	s13 =	sadd.s32 $0x47E00, s1;
	s6 =	sadd.s32 $0x48600, s1;
	[dreg:$0x5] =	wrdreg s25  }
0x13: {  	s5 =	sadd.s32 $0x48E00, s1;
	[dreg:$0x6] =	wrdreg s26;
	s4 =	sadd.s32 $0x49600, s1  }
0x14: {  	s26 =	simm.s32 $0x280;
	s24 =	simm.s32 $0x4;
	s1 =	sadd.s32 $0xFFFFFFFF, s0  }
0x15: {  	s25 =	simm.s32 $0x300;
	s23 =	simm.s32 $0x5;
	s0 =	rddreg [dreg:$0x2]  }
0x16: {  	[tilespmem:s2], [sflag:$0xB] =	stream.linear.gather [hbm4b:s0+s2], $0x400, $0x38;
	[tilespmem:$0x14400] =	vst v63  }
0x17: {  	_ =	swait.ge [sflag:s30], $0x400  }
0x18: {  	[sflag:s30] =	ssyncset.done $0x0  }
0x19: {  	[sflag:s30] =	ssyncadd.s32 $0xFFFFFC00  }
0x1a: {  	[tilespmem:s12], [sflag:$0x1] =	stream.indirect.gather [hbm4b:s3+s14], $0x80, s2, s14, $0xb8;
	[tilespmem:$0x14400] =	vst v63  }
0x1b: {  	_ = 	snop  }
0x1c: {  	[tilespmem:s10], [sflag:$0x2] =	stream.indirect.gather [hbm4b:s3+s14], $0x80, s14, s14, $0xb8;
	[tilespmem:$0x14400] =	vst v63  }
0x1d: {  	_ = 	snop  }
0x1e: {  	[tilespmem:s9], [sflag:$0x3] =	stream.indirect.gather [hbm4b:s3+s14], $0x80, s31, s14, $0xb8;
	[tilespmem:$0x14400] =	vst v63  }
0x1f: {  	_ =	swait.ge [sflag:s17], $0x4000  }
0x20: {  	[sflag:s17] =	ssyncset.done $0x0  }
0x21: {  	s0 =	rddreg [dreg:$0x3];
	[sflag:s17] =	ssyncadd.s32 $0xFFFFC000  }
0x22: {  	[hbm4b:s0+s2] =	stream.linear.scatter [tilespmem:s12], [sflag:$0x6], $0x4000, $0x38;
	[tilespmem:$0x14400] =	vst v63  }
0x23: {  	_ = 	snop  }
0x24: {  	[tilespmem:s21], [sflag:$0x4] =	stream.indirect.gather [hbm4b:s3+s14], $0x80, s29, s14, $0xb8;
	[tilespmem:$0x14400] =	vst v63  }
0x25: {  	_ =	swait.ge [sflag:s16], $0x4000  }
0x26: {  	[sflag:s16] =	ssyncset.done $0x0  }
0x27: {  	s0 =	rddreg [dreg:$0x4];
	[sflag:s16] =	ssyncadd.s32 $0xFFFFC000  }
0x28: {  	[hbm4b:s0+s2] =	stream.linear.scatter [tilespmem:s10], [sflag:$0x7], $0x4000, $0x38;
	[tilespmem:$0x14400] =	vst v63  }
0x29: {  	_ = 	snop  }
0x2a: {  	[tilespmem:s20], [sflag:$0x5] =	stream.indirect.gather [hbm4b:s3+s14], $0x80, s28, s14, $0xb8;
	[tilespmem:$0x14400] =	vst v63  }
0x2b: {  	_ =	swait.ge [sflag:s15], $0x4000  }
0x2c: {  	[sflag:s15] =	ssyncset.done $0x0  }
0x2d: {  	s0 =	rddreg [dreg:$0x5];
	[sflag:s15] =	ssyncadd.s32 $0xFFFFC000  }
0x2e: {  	[hbm4b:s0+s2] =	stream.linear.scatter [tilespmem:s9], [sflag:$0x8], $0x4000, $0x38;
	[tilespmem:$0x14400] =	vst v63  }
0x2f: {  	_ =	swait.ge [sflag:s7], $0x4000  }
0x30: {  	[sflag:s7] =	ssyncset.done $0x0  }
0x31: {  	[sflag:s7] =	ssyncadd.s32 $0xFFFFC000  }
0x32: {  	[tilespmem:s12], [sflag:$0x1] =	stream.indirect.gather [hbm4b:s3+s14], $0x80, s26, s14, $0xb8;
	[tilespmem:$0x14400] =	vst v63  }
0x33: {  	_ =	swait.ge [sflag:s24], $0x4000  }
0x34: {  	[sflag:s24] =	ssyncset.done $0x0  }
0x35: {  	s0 =	rddreg [dreg:$0x6];
	[sflag:s24] =	ssyncadd.s32 $0xFFFFC000  }
0x36: {  	[hbm4b:s0+s2] =	stream.linear.scatter [tilespmem:s21], [sflag:$0x9], $0x4000, $0x38;
	[tilespmem:$0x14400] =	vst v63  }
0x37: {  	_ =	swait.ge [sflag:s8], $0x4000  }
0x38: {  	[sflag:s8] =	ssyncset.done $0x0  }
0x39: {  	[sflag:s8] =	ssyncadd.s32 $0xFFFFC000  }
0x3a: {  	[tilespmem:s10], [sflag:$0x2] =	stream.indirect.gather [hbm4b:s3+s14], $0x80, s25, s14, $0xb8;
	[tilespmem:$0x14400] =	vst v63  }
0x3b: {  	_ =	swait.ge [sflag:s23], $0x4000  }
0x3c: {  	[sflag:s23] =	ssyncset.done $0x0  }
0x3d: {  	[sflag:s23] =	ssyncadd.s32 $0xFFFFC000  }
0x3e: {  	[hbm4b:s13+s2] =	stream.linear.scatter [tilespmem:s20], [sflag:$0xA], $0x4000, $0x38;
	[tilespmem:$0x14400] =	vst v63  }
0x3f: {  	_ =	swait.ge [sflag:s11], $0x4000  }
0x40: {  	[sflag:s11] =	ssyncset.done $0x0  }
0x41: {  	[sflag:s11] =	ssyncadd.s32 $0xFFFFC000  }
0x42: {  	[tilespmem:s9], [sflag:$0x3] =	stream.indirect.gather [hbm4b:s3+s14], $0x80, s22, s14, $0xb8;
	[tilespmem:$0x14400] =	vst v63  }
0x43: {  	_ =	swait.ge [sflag:s17], $0x4000  }
0x44: {  	[sflag:s17] =	ssyncset.done $0x0  }
0x45: {  	[sflag:s17] =	ssyncadd.s32 $0xFFFFC000  }
0x46: {  	[hbm4b:s6+s2] =	stream.linear.scatter [tilespmem:s12], [sflag:$0x6], $0x4000, $0x38;
	[tilespmem:$0x14400] =	vst v63  }
0x47: {  	_ =	swait.ge [sflag:s16], $0x4000  }
0x48: {  	[sflag:s16] =	ssyncset.done $0x0  }
0x49: {  	[sflag:s16] =	ssyncadd.s32 $0xFFFFC000  }
0x4a: {  	[hbm4b:s5+s2] =	stream.linear.scatter [tilespmem:s10], [sflag:$0x7], $0x4000, $0x38;
	[tilespmem:$0x14400] =	vst v63  }
0x4b: {  	_ =	swait.ge [sflag:s15], $0x4000  }
0x4c: {  	[sflag:s15] =	ssyncset.done $0x0  }
0x4d: {  	[sflag:s15] =	ssyncadd.s32 $0xFFFFC000  }
0x4e: {  	[hbm4b:s4+s2] =	stream.linear.scatter [tilespmem:s9], [sflag:$0x8], $0x4000, $0x38;
	[tilespmem:$0x14400] =	vst v63  }
0x4f: {  	_ =	swait.ge [sflag:s19], $0x4000  }
0x50: {  	[sflag:s19] =	ssyncset.done $0x0  }
0x51: {  	[sflag:s19] =	ssyncadd.s32 $0xFFFFC000  }
0x52: {  	_ =	swait.ge [sflag:s18], $0x4000  }
0x53: {  	[sflag:s18] =	ssyncset.done $0x0  }
0x54: {  	[sflag:s18] =	ssyncadd.s32 $0xFFFFC000  }
0x55: {  	_ =	swait.ge [sflag:s7], $0x4000  }
0x56: {  	[sflag:s7] =	ssyncset.done $0x0  }
0x57: {  	p1 =	sne.s32 s1, $0x1;
	[sflag:s7] =	ssyncadd.s32 $0xFFFFC000  }
.Ltmp1:
0x58: {  	_ =	swait.ge [sflag:s8], $0x4000;
	(pc) =	sbr.rel @!p1 .LBB2_3-.Ltmp1, $4  }
0x59: {  	[sflag:s8] =	ssyncset.done $0x0  }
0x5a: {  	[sflag:s8] =	ssyncadd.s32 $0xFFFFC000  }
0x5b: {  	s1 =	sadd.s32 $0xFFFFFFFF, s1;
	_ =	swait.ge [sflag:s11], $0x4000  }
0x5c: {  	p0 =	por $0x1, $0x1;
	s0 =	rddreg [dreg:$0x2];
	[sflag:s11] =	ssyncset.done $0x0  }
.LBB2_2:
0x5d: {  	[sflag:s11] =	ssyncadd.s32 $0xFFFFC000  }
0x5e: {  	[tilespmem:s2], [sflag:$0xB] =	stream.linear.gather [hbm4b:s0+s2], $0x400, $0x38;
	[tilespmem:$0x14400] =	vst v63  }
0x5f: {  	_ =	swait.ge [sflag:s30], $0x400  }
0x60: {  	[sflag:s30] =	ssyncset.done $0x0  }
0x61: {  	[sflag:s30] =	ssyncadd.s32 $0xFFFFFC00  }
0x62: {  	[tilespmem:s12], [sflag:$0x1] =	stream.indirect.gather [hbm4b:s3+s14], $0x80, s2, s14, $0xb8;
	[tilespmem:$0x14400] =	vst v63  }
0x63: {  	_ = 	snop  }
0x64: {  	[tilespmem:s10], [sflag:$0x2] =	stream.indirect.gather [hbm4b:s3+s14], $0x80, s14, s14, $0xb8;
	[tilespmem:$0x14400] =	vst v63  }
0x65: {  	_ = 	snop  }
0x66: {  	[tilespmem:s9], [sflag:$0x3] =	stream.indirect.gather [hbm4b:s3+s14], $0x80, s31, s14, $0xb8;
	[tilespmem:$0x14400] =	vst v63  }
0x67: {  	_ =	swait.ge [sflag:s17], $0x4000  }
0x68: {  	[sflag:s17] =	ssyncset.done $0x0  }
0x69: {  	s0 =	rddreg [dreg:$0x3];
	[sflag:s17] =	ssyncadd.s32 $0xFFFFC000  }
0x6a: {  	[hbm4b:s0+s2] =	stream.linear.scatter [tilespmem:s12], [sflag:$0x6], $0x4000, $0x38;
	[tilespmem:$0x14400] =	vst v63  }
0x6b: {  	_ = 	snop  }
0x6c: {  	[tilespmem:s21], [sflag:$0x4] =	stream.indirect.gather [hbm4b:s3+s14], $0x80, s29, s14, $0xb8;
	[tilespmem:$0x14400] =	vst v63  }
0x6d: {  	_ =	swait.ge [sflag:s16], $0x4000  }
0x6e: {  	[sflag:s16] =	ssyncset.done $0x0  }
0x6f: {  	s0 =	rddreg [dreg:$0x4];
	[sflag:s16] =	ssyncadd.s32 $0xFFFFC000  }
0x70: {  	[hbm4b:s0+s2] =	stream.linear.scatter [tilespmem:s10], [sflag:$0x7], $0x4000, $0x38;
	[tilespmem:$0x14400] =	vst v63  }
0x71: {  	_ = 	snop  }
0x72: {  	[tilespmem:s20], [sflag:$0x5] =	stream.indirect.gather [hbm4b:s3+s14], $0x80, s28, s14, $0xb8;
	[tilespmem:$0x14400] =	vst v63  }
0x73: {  	_ =	swait.ge [sflag:s15], $0x4000  }
0x74: {  	[sflag:s15] =	ssyncset.done $0x0  }
0x75: {  	s0 =	rddreg [dreg:$0x5];
	[sflag:s15] =	ssyncadd.s32 $0xFFFFC000  }
0x76: {  	[hbm4b:s0+s2] =	stream.linear.scatter [tilespmem:s9], [sflag:$0x8], $0x4000, $0x38;
	[tilespmem:$0x14400] =	vst v63  }
0x77: {  	_ =	swait.ge [sflag:s7], $0x4000  }
0x78: {  	[sflag:s7] =	ssyncset.done $0x0  }
0x79: {  	[sflag:s7] =	ssyncadd.s32 $0xFFFFC000  }
0x7a: {  	[tilespmem:s12], [sflag:$0x1] =	stream.indirect.gather [hbm4b:s3+s14], $0x80, s26, s14, $0xb8;
	[tilespmem:$0x14400] =	vst v63  }
0x7b: {  	_ =	swait.ge [sflag:s24], $0x4000  }
0x7c: {  	[sflag:s24] =	ssyncset.done $0x0  }
0x7d: {  	s0 =	rddreg [dreg:$0x6];
	[sflag:s24] =	ssyncadd.s32 $0xFFFFC000  }
0x7e: {  	[hbm4b:s0+s2] =	stream.linear.scatter [tilespmem:s21], [sflag:$0x9], $0x4000, $0x38;
	[tilespmem:$0x14400] =	vst v63  }
0x7f: {  	_ =	swait.ge [sflag:s8], $0x4000  }
0x80: {  	[sflag:s8] =	ssyncset.done $0x0  }
0x81: {  	[sflag:s8] =	ssyncadd.s32 $0xFFFFC000  }
0x82: {  	[tilespmem:s10], [sflag:$0x2] =	stream.indirect.gather [hbm4b:s3+s14], $0x80, s25, s14, $0xb8;
	[tilespmem:$0x14400] =	vst v63  }
0x83: {  	_ =	swait.ge [sflag:s23], $0x4000  }
0x84: {  	[sflag:s23] =	ssyncset.done $0x0  }
0x85: {  	[sflag:s23] =	ssyncadd.s32 $0xFFFFC000  }
0x86: {  	[hbm4b:s13+s2] =	stream.linear.scatter [tilespmem:s20], [sflag:$0xA], $0x4000, $0x38;
	[tilespmem:$0x14400] =	vst v63  }
0x87: {  	_ =	swait.ge [sflag:s11], $0x4000  }
0x88: {  	[sflag:s11] =	ssyncset.done $0x0  }
0x89: {  	[sflag:s11] =	ssyncadd.s32 $0xFFFFC000  }
0x8a: {  	[tilespmem:s9], [sflag:$0x3] =	stream.indirect.gather [hbm4b:s3+s14], $0x80, s22, s14, $0xb8;
	[tilespmem:$0x14400] =	vst v63  }
0x8b: {  	_ =	swait.ge [sflag:s17], $0x4000  }
0x8c: {  	[sflag:s17] =	ssyncset.done $0x0  }
0x8d: {  	[sflag:s17] =	ssyncadd.s32 $0xFFFFC000  }
0x8e: {  	[hbm4b:s6+s2] =	stream.linear.scatter [tilespmem:s12], [sflag:$0x6], $0x4000, $0x38;
	[tilespmem:$0x14400] =	vst v63  }
0x8f: {  	_ =	swait.ge [sflag:s16], $0x4000  }
0x90: {  	[sflag:s16] =	ssyncset.done $0x0  }
0x91: {  	[sflag:s16] =	ssyncadd.s32 $0xFFFFC000  }
0x92: {  	[hbm4b:s5+s2] =	stream.linear.scatter [tilespmem:s10], [sflag:$0x7], $0x4000, $0x38;
	[tilespmem:$0x14400] =	vst v63  }
0x93: {  	_ =	swait.ge [sflag:s15], $0x4000  }
0x94: {  	[sflag:s15] =	ssyncset.done $0x0  }
0x95: {  	[sflag:s15] =	ssyncadd.s32 $0xFFFFC000  }
0x96: {  	[hbm4b:s4+s2] =	stream.linear.scatter [tilespmem:s9], [sflag:$0x8], $0x4000, $0x38;
	[tilespmem:$0x14400] =	vst v63  }
0x97: {  	_ =	swait.ge [sflag:s19], $0x4000  }
0x98: {  	[sflag:s19] =	ssyncset.done $0x0  }
0x99: {  	[sflag:s19] =	ssyncadd.s32 $0xFFFFC000  }
0x9a: {  	_ =	swait.ge [sflag:s18], $0x4000  }
0x9b: {  	[sflag:s18] =	ssyncset.done $0x0  }
0x9c: {  	[sflag:s18] =	ssyncadd.s32 $0xFFFFC000  }
0x9d: {  	_ =	swait.ge [sflag:s7], $0x4000  }
0x9e: {  	[sflag:s7] =	ssyncset.done $0x0  }
0x9f: {  	p1 =	sne.s32 s1, $0x1;
	[sflag:s7] =	ssyncadd.s32 $0xFFFFC000  }
.Ltmp2:
0xa0: {  	_ =	swait.ge [sflag:s8], $0x4000;
	(pc) =	sbr.rel @p1 .LBB2_2-.Ltmp2, $4  }
0xa1: {  	[sflag:s8] =	ssyncset.done $0x0  }
0xa2: {  	[sflag:s8] =	ssyncadd.s32 $0xFFFFC000  }
0xa3: {  	_ =	swait.ge [sflag:s11], $0x4000  }
0xa4: {  	s1 =	sadd.s32 $0xFFFFFFFF, s1;
	s0 =	rddreg [dreg:$0x2];
	[sflag:s11] =	ssyncset.done $0x0  }
.LBB2_3:
0xa5: {  	[sflag:s11] =	ssyncadd.s32 @p0 $0xFFFFC000  }
0xa6: {  	[tilespmem:s2], [sflag:$0xB] =	stream.linear.gather [hbm4b:s0+s2], $0x400, $0x38;
	[tilespmem:$0x14400] =	vst v63  }
0xa7: {  	_ =	swait.ge [sflag:s30], $0x400  }
0xa8: {  	[sflag:s30] =	ssyncset.done $0x0  }
0xa9: {  	[sflag:s30] =	ssyncadd.s32 $0xFFFFFC00  }
0xaa: {  	[tilespmem:s12], [sflag:$0x1] =	stream.indirect.gather [hbm4b:s3+s14], $0x80, s2, s14, $0xb8;
	[tilespmem:$0x14400] =	vst v63  }
0xab: {  	_ = 	snop  }
0xac: {  	[tilespmem:s10], [sflag:$0x2] =	stream.indirect.gather [hbm4b:s3+s14], $0x80, s14, s14, $0xb8;
	[tilespmem:$0x14400] =	vst v63  }
0xad: {  	_ = 	snop  }
0xae: {  	[tilespmem:s9], [sflag:$0x3] =	stream.indirect.gather [hbm4b:s3+s14], $0x80, s31, s14, $0xb8;
	[tilespmem:$0x14400] =	vst v63  }
0xaf: {  	_ =	swait.ge [sflag:s17], $0x4000  }
0xb0: {  	[sflag:s17] =	ssyncset.done $0x0  }
0xb1: {  	s31 =	rddreg [dreg:$0x3];
	[sflag:s17] =	ssyncadd.s32 $0xFFFFC000  }
0xb2: {  	[hbm4b:s31+s2] =	stream.linear.scatter [tilespmem:s12], [sflag:$0x6], $0x4000, $0x38;
	[tilespmem:$0x14400] =	vst v63  }
0xb3: {  	_ = 	snop  }
0xb4: {  	[tilespmem:s21], [sflag:$0x4] =	stream.indirect.gather [hbm4b:s3+s14], $0x80, s29, s14, $0xb8;
	[tilespmem:$0x14400] =	vst v63  }
0xb5: {  	_ =	swait.ge [sflag:s16], $0x4000  }
0xb6: {  	[sflag:s16] =	ssyncset.done $0x0  }
0xb7: {  	s1 =	rddreg [dreg:$0x4];
	[sflag:s16] =	ssyncadd.s32 $0xFFFFC000  }
0xb8: {  	[hbm4b:s1+s2] =	stream.linear.scatter [tilespmem:s10], [sflag:$0x7], $0x4000, $0x38;
	[tilespmem:$0x14400] =	vst v63  }
0xb9: {  	_ = 	snop  }
0xba: {  	[tilespmem:s20], [sflag:$0x5] =	stream.indirect.gather [hbm4b:s3+s14], $0x80, s28, s14, $0xb8;
	[tilespmem:$0x14400] =	vst v63  }
0xbb: {  	_ =	swait.ge [sflag:s15], $0x4000  }
0xbc: {  	[sflag:s15] =	ssyncset.done $0x0  }
0xbd: {  	s29 =	rddreg [dreg:$0x5];
	[sflag:s15] =	ssyncadd.s32 $0xFFFFC000  }
0xbe: {  	[hbm4b:s29+s2] =	stream.linear.scatter [tilespmem:s9], [sflag:$0x8], $0x4000, $0x38;
	[tilespmem:$0x14400] =	vst v63  }
0xbf: {  	_ =	swait.ge [sflag:s7], $0x4000  }
0xc0: {  	[sflag:s7] =	ssyncset.done $0x0  }
0xc1: {  	[sflag:s7] =	ssyncadd.s32 $0xFFFFC000  }
0xc2: {  	[tilespmem:s12], [sflag:$0x1] =	stream.indirect.gather [hbm4b:s3+s14], $0x80, s26, s14, $0xb8;
	[tilespmem:$0x14400] =	vst v63  }
0xc3: {  	_ =	swait.ge [sflag:s24], $0x4000  }
0xc4: {  	[sflag:s24] =	ssyncset.done $0x0  }
0xc5: {  	s30 =	rddreg [dreg:$0x6];
	[sflag:s24] =	ssyncadd.s32 $0xFFFFC000  }
0xc6: {  	[hbm4b:s30+s2] =	stream.linear.scatter [tilespmem:s21], [sflag:$0x9], $0x4000, $0x38;
	[tilespmem:$0x14400] =	vst v63  }
0xc7: {  	_ =	swait.ge [sflag:s8], $0x4000  }
0xc8: {  	[sflag:s8] =	ssyncset.done $0x0  }
0xc9: {  	[sflag:s8] =	ssyncadd.s32 $0xFFFFC000  }
0xca: {  	[tilespmem:s10], [sflag:$0x2] =	stream.indirect.gather [hbm4b:s3+s14], $0x80, s25, s14, $0xb8;
	[tilespmem:$0x14400] =	vst v63  }
0xcb: {  	_ =	swait.ge [sflag:s23], $0x4000  }
0xcc: {  	[sflag:s23] =	ssyncset.done $0x0  }
0xcd: {  	[sflag:s23] =	ssyncadd.s32 $0xFFFFC000  }
0xce: {  	[hbm4b:s13+s2] =	stream.linear.scatter [tilespmem:s20], [sflag:$0xA], $0x4000, $0x38;
	[tilespmem:$0x14400] =	vst v63  }
0xcf: {  	_ =	swait.ge [sflag:s11], $0x4000  }
0xd0: {  	[sflag:s11] =	ssyncset.done $0x0  }
0xd1: {  	[sflag:s11] =	ssyncadd.s32 $0xFFFFC000  }
0xd2: {  	[tilespmem:s9], [sflag:$0x3] =	stream.indirect.gather [hbm4b:s3+s14], $0x80, s22, s14, $0xb8;
	[tilespmem:$0x14400] =	vst v63  }
0xd3: {  	_ =	swait.ge [sflag:s17], $0x4000  }
0xd4: {  	[sflag:s17] =	ssyncset.done $0x0  }
0xd5: {  	[sflag:s17] =	ssyncadd.s32 $0xFFFFC000  }
0xd6: {  	[hbm4b:s6+s2] =	stream.linear.scatter [tilespmem:s12], [sflag:$0x6], $0x4000, $0x38;
	[tilespmem:$0x14400] =	vst v63  }
0xd7: {  	_ =	swait.ge [sflag:s16], $0x4000  }
0xd8: {  	[sflag:s16] =	ssyncset.done $0x0  }
0xd9: {  	[sflag:s16] =	ssyncadd.s32 $0xFFFFC000  }
0xda: {  	[hbm4b:s5+s2] =	stream.linear.scatter [tilespmem:s10], [sflag:$0x7], $0x4000, $0x38;
	[tilespmem:$0x14400] =	vst v63  }
0xdb: {  	_ =	swait.ge [sflag:s15], $0x4000  }
0xdc: {  	[sflag:s15] =	ssyncset.done $0x0  }
0xdd: {  	[sflag:s15] =	ssyncadd.s32 $0xFFFFC000  }
0xde: {  	[hbm4b:s4+s2] =	stream.linear.scatter [tilespmem:s9], [sflag:$0x8], $0x4000, $0x38;
	[tilespmem:$0x14400] =	vst v63  }
0xdf: {  	_ =	swait.ge [sflag:s19], $0x4000  }
0xe0: {  	[sflag:s19] =	ssyncset.done $0x0  }
0xe1: {  	[sflag:s19] =	ssyncadd.s32 $0xFFFFC000  }
0xe2: {  	_ =	swait.ge [sflag:s18], $0x4000  }
0xe3: {  	[sflag:s18] =	ssyncset.done $0x0  }
0xe4: {  	[sflag:s18] =	ssyncadd.s32 $0xFFFFC000  }
0xe5: {  	_ =	swait.ge [sflag:s7], $0x4000  }
0xe6: {  	[sflag:s7] =	ssyncset.done $0x0  }
0xe7: {  	[sflag:s7] =	ssyncadd.s32 $0xFFFFC000  }
0xe8: {  	_ =	swait.ge [sflag:s8], $0x4000  }
0xe9: {  	[sflag:s8] =	ssyncset.done $0x0  }
0xea: {  	[sflag:s8] =	ssyncadd.s32 $0xFFFFC000  }
0xeb: {  	_ =	swait.ge [sflag:s11], $0x4000  }
0xec: {  	[sflag:s11] =	ssyncset.done $0x0  }
0xed: {  	[sflag:s11] =	ssyncadd.s32 $0xFFFFC000  }
0xee: {  	_ =	sfence.sel $0x180000  }
0xef: {  	[bflag:$0x0] =	sbarrier.arrive $0xFFFF  }
0xf0: {  	_ =	strace $0x90000047  }
0xf1: {  	s31 =	stileid.u32;
	[bflag:$0x2] =	sbarrier.arrive $0xFFFF  }
0xf2: {  	p0 =	sne.s32 s31, $0x0;
	s0 =	rddreg [dreg:$0x1]  }
0xf3: {  	s0 =	sadd.s32 @!p0 $0x100000, s0  }
0xf4: {  	[sflag:s0] =	ssyncadd.tile.s32 @!p0 $0x1;
	_ =	shalt  }
.Lfunc_end2:
_tile_overlayer_lowered:
.L_overlay_start_2:
0xf5: {  	(tag) =	ssettag $0x2  }
0xf6: {  	s0 =	rddreg [dreg:$0x0];
	s2 =	stileid.u32  }
0xf7: {  	s1 =	rddreg [dreg:$0x1];
	p0 =	sne.s32 s2, $0x0  }
0xf8: {  	s3 =	rddreg [dreg:$0x2];
	[bflag:$0x3] =	sbarrier.arrive $0xFFFF;
	s2 =	simm.s32 @!p0 $0x1C0B  }
0xf9: {  	[timem:s3], [sflag:s2] =	dma.local @!p0 [hbm:s0], s1  }
0xfa: {  	s0 =	simm.s32 @!p0 $0xB  }
0xfb: {  	_ =	swait.ge @!p0 [sflag:s0], s1  }
0xfc: {  	s1 =	ssub.s32 @!p0 $0x0, s1;
	[sflag:s0] =	ssyncset.done @!p0 $0x0  }
0xfd: {  	[sflag:s0] =	ssyncadd.s32 @!p0 s1  }
0xfe: {  	[bflag:$0x3] =	sbarrier.arrive $0xFFFF  }
0xff: {  	_ =	shalt  }

</sc_bundles>
